<compile_context>
chip_gen: v7x
topology: tpu7x:2x2x1
jax: 0.10.2.dev20260603
libtpu: 0.0.44.dev20260713+nightly
codegen_flags: <defaults>
</compile_context>

<pallas_src>
import jax
import jax.numpy as jnp
from jax import lax
from jax.experimental import pallas as pl
from jax.experimental.pallas import tpu as pltpu
from jax.experimental.pallas import tpu_sc as plsc

DIM = 32
N_FIELDS = 26
BATCH = 16384
NUM_CORES = 2
NUM_SUBCORES = 16
NUM_WORKERS = NUM_CORES * NUM_SUBCORES
BLK = 128
TC_PER_F = BATCH // BLK
TC_PER_W = TC_PER_F // NUM_WORKERS
BLOCKS_PER_W = N_FIELDS * TC_PER_W
P_ROWS = N_FIELDS * (DIM // 8) * TC_PER_F * 8
ROWS_PER_F = (DIM // 8) * TC_PER_F * 8

_mesh = plsc.VectorSubcoreMesh(core_axis_name="c", subcore_axis_name="s")


def _body(table_hbm, idx_hbm, p_hbm, idx_v, rows_a, rows_b, t_a, t_b, sem_g, sem_w):
    wid = lax.axis_index("s") * NUM_CORES + lax.axis_index("c")

    pltpu.sync_copy(idx_hbm.at[:, pl.ds(wid * TC_PER_W, TC_PER_W), :, :], idx_v)

    lane = lax.iota(jnp.int32, 16)
    rowsel = [lane + 16 * k for k in range(8)]

    def gather_desc(z, rows_v):
        f2 = z // TC_PER_W
        t = z % TC_PER_W
        return pltpu.make_async_copy(
            table_hbm.at[idx_v.at[f2 // 8, t, f2 % 8]], rows_v, sem_g
        )

    def write_descs(z, t_v):
        f2 = z // TC_PER_W
        tc = wid * TC_PER_W + z % TC_PER_W
        row0 = f2 * ROWS_PER_F + tc * 8
        return [
            pltpu.make_async_copy(
                t_v.at[pl.ds(tr * 8, 8), :],
                p_hbm.at[pl.ds(row0 + tr * TC_PER_F * 8, 8), :],
                sem_w,
            )
            for tr in range(4)
        ]

    def transpose_block(rows_v, t_v):
        @plsc.parallel_loop(0, DIM, 1, unroll=4)
        def _(d):
            col = jnp.full((16,), 0, jnp.int32) + d
            for k in range(8):
                src = plsc.load_gather(rows_v, [rowsel[k], col])
                t_v[d, pl.ds(16 * k, 16)] = src

    gather_desc(0, rows_a).start()

    def loop_body(zz, carry):
        for sub, rows_v, t_v in ((0, rows_a, t_a), (1, rows_b, t_b)):
            z = 2 * zz + sub
            gather_desc(z, rows_v).wait()

            @pl.when(z + 1 < BLOCKS_PER_W)
            def _():
                gather_desc(z + 1, rows_b if sub == 0 else rows_a).start()

            @pl.when(z >= 2)
            def _():
                for d in write_descs(z - 2, t_v):
                    d.wait()

            transpose_block(rows_v, t_v)
            for d in write_descs(z, t_v):
                d.start()
        return carry

    lax.fori_loop(0, BLOCKS_PER_W // 2, loop_body, 0)
    for d in write_descs(BLOCKS_PER_W - 2, t_a):
        d.wait()
    for d in write_descs(BLOCKS_PER_W - 1, t_b):
        d.wait()


@jax.jit
def _embed(idx_t, emb):
    k = pl.kernel(
        _body,
        mesh=_mesh,
        out_type=jax.ShapeDtypeStruct((P_ROWS, BLK), jnp.float32),
        scratch_types=[
            pltpu.VMEM((4, TC_PER_W, 8, BLK), jnp.int32),
            pltpu.VMEM((BLK, DIM), jnp.float32),
            pltpu.VMEM((BLK, DIM), jnp.float32),
            pltpu.VMEM((DIM, BLK), jnp.float32),
            pltpu.VMEM((DIM, BLK), jnp.float32),
            pltpu.SemaphoreType.DMA,
            pltpu.SemaphoreType.DMA,
        ],
        compiler_params=pltpu.CompilerParams(
            use_tc_tiling_on_sc=False, needs_layout_passes=False
        ),
    )
    return k(emb, idx_t)


def kernel(token_ids, emb):
    idx4 = (
        jnp.pad(token_ids.T, ((0, 8 * (N_FIELDS // 8 + 1) - N_FIELDS), (0, 0)))
        .reshape(4, 8, TC_PER_F, BLK)
        .transpose(0, 2, 1, 3)
    )
    p = _embed(idx4, emb)
    p5 = p.reshape(N_FIELDS, DIM // 8, TC_PER_F, 8, BLK)
    return p5.transpose(2, 4, 0, 1, 3).reshape(BATCH, N_FIELDS, DIM)

# --- scband reference (transcript-rebuilt; emitter-appended) ---
"""Pipeline reference for scband-embedding-45277545234453 (READ-ONLY COPY).

The authoritative reference and input builder live on the scoring server;
editing this copy changes nothing except your own understanding.
"""

import jax, jax.numpy as jnp
import numpy as np

NUM_EMBEDDINGS = 1000000
EMBEDDING_DIM = 32
BATCH = 16384
N_FIELDS = 26


def setup_inputs(seed: int = 0) -> dict:
    key = jax.random.key(seed)
    k_idx, k_emb = jax.random.split(key)
    token_ids = jax.random.randint(k_idx, (BATCH, N_FIELDS), 0, NUM_EMBEDDINGS, dtype=jnp.int64 if jax.config.jax_enable_x64 else jnp.int32)
    token_ids = token_ids.astype(jnp.int32)
    # trunc_normal_(mean=0, std=0.02, a=-3.0, b=-3.0..3.0): truncation bounds are in
    # units of std-normal, then scaled by std=0.02 (matches torch.nn.init.trunc_normal_
    # semantics where a/b are absolute; with std=0.02, a=-3, b=3 the truncation is
    # effectively at +/-150 sigma, i.e. almost plain normal, but we reproduce exactly:
    # sample standard normal truncated at a/std, b/std then scale by std).
    emb = jax.random.truncated_normal(k_emb, -3.0 / 0.02, 3.0 / 0.02, (NUM_EMBEDDINGS, EMBEDDING_DIM), dtype=jnp.float32) * 0.02
    return {"token_ids": token_ids, "emb": emb}


def reference(token_ids, emb):
    # Faithful translation of: return self.emb[token_ids]
    return jnp.take(emb, token_ids, axis=0)

if __name__ == "__main__":
    import jax
    _d = setup_inputs()
    print(jax.jit(kernel)(*tuple(_d.values())))

</pallas_src>

<mosaic_0001>
#map = affine_map<(d0, d1) -> (0, 0)>
#map1 = affine_map<(d0, d1) -> (0, 0, 0, 0)>
module attributes {stable_mosaic.version = 14 : i64} {
  func.func @_body(%arg0: i32, %arg1: i32, %arg2: memref<1000000x32xf32, #tpu.memory_space<hbm>>, %arg3: memref<4x128x8x128xi32, #tpu.memory_space<hbm>>, %arg4: memref<106496x128xf32, #tpu.memory_space<hbm>>, %arg5: memref<4x4x8x128xi32, #tpu.memory_space<vmem>>, %arg6: memref<128x32xf32, #tpu.memory_space<vmem>>, %arg7: memref<128x32xf32, #tpu.memory_space<vmem>>, %arg8: memref<32x128xf32, #tpu.memory_space<vmem>>, %arg9: memref<32x128xf32, #tpu.memory_space<vmem>>, %arg10: memref<!tpu.dma_semaphore, #tpu.memory_space<semaphore_mem>>, %arg11: memref<!tpu.dma_semaphore, #tpu.memory_space<semaphore_mem>>) attributes {dimension_semantics = [#tpu.dimension_semantics<core_parallel>, #tpu.dimension_semantics<subcore_parallel>], iteration_bounds = array<i64: 2, 16>, scalar_prefetch = 0 : i64, scratch_operands = 7 : i64, tpu.core_type = #tpu.core_type<sc_vector_subcore>, window_params = [{transform_indices = #map}, {transform_indices = #map1}, {transform_indices = #map}]} {
    %mul3A = arith.constant 2 : i32
    %mul3A_0 = arith.muli %arg1, %mul3A : i32
    %add3A = arith.addi %mul3A_0, %arg0 : i32
    %mul3A_1 = arith.constant 4 : i32
    %mul3A_2 = arith.muli %add3A, %mul3A_1 : i32
    "tpu.region"() ({
      %run_scoped3A = tpu.sem_alloc : memref<!tpu.dma_semaphore, #tpu.memory_space<semaphore_mem>>
      %dma_start3A_151 = arith.constant 0 : i32
      %dma_start3A_152 = arith.constant 0 : i32
      %dma_start3A_153 = arith.constant 0 : i32
      %dma_start3A_154 = tpu.memref_slice %arg3[%dma_start3A_151, %mul3A_2, %dma_start3A_152, %dma_start3A_153] : memref<4x128x8x128xi32, #tpu.memory_space<hbm>> -> memref<4x4x8x128xi32, #tpu.memory_space<hbm>>
      %dma_start3A_155 = arith.constant 0 : i32
      %dma_start3A_156 = arith.constant 0 : i32
      %dma_start3A_157 = arith.constant 0 : i32
      %dma_start3A_158 = tpu.memref_slice %arg3[%dma_start3A_155, %mul3A_2, %dma_start3A_156, %dma_start3A_157] : memref<4x128x8x128xi32, #tpu.memory_space<hbm>> -> memref<4x4x8x128xi32, #tpu.memory_space<hbm>>
      tpu.enqueue_dma source(%dma_start3A_158 : memref<4x4x8x128xi32, #tpu.memory_space<hbm>>) target(%arg5 : memref<4x4x8x128xi32, #tpu.memory_space<vmem>>) target_semaphore(%run_scoped3A : memref<!tpu.dma_semaphore, #tpu.memory_space<semaphore_mem>>)
      %dma_wait3A_159 = arith.constant 0 : i32
      %dma_wait3A_160 = arith.constant 0 : i32
      %dma_wait3A_161 = arith.constant 0 : i32
      %dma_wait3A_162 = tpu.memref_slice %arg3[%dma_wait3A_159, %mul3A_2, %dma_wait3A_160, %dma_wait3A_161] : memref<4x128x8x128xi32, #tpu.memory_space<hbm>> -> memref<4x4x8x128xi32, #tpu.memory_space<hbm>>
      %dma_wait3A_163 = arith.constant 0 : i32
      %dma_wait3A_164 = arith.constant 0 : i32
      %dma_wait3A_165 = arith.constant 0 : i32
      %dma_wait3A_166 = tpu.memref_slice %arg3[%dma_wait3A_163, %mul3A_2, %dma_wait3A_164, %dma_wait3A_165] : memref<4x128x8x128xi32, #tpu.memory_space<hbm>> -> memref<4x4x8x128xi32, #tpu.memory_space<hbm>>
      tpu.wait_dma2 semaphore(%run_scoped3A : memref<!tpu.dma_semaphore, #tpu.memory_space<semaphore_mem>>) src(%dma_wait3A_166 : memref<4x4x8x128xi32, #tpu.memory_space<hbm>>) dst(%arg5 : memref<4x4x8x128xi32, #tpu.memory_space<vmem>>)
      tpu.yield
    }) : () -> ()
    %iota3A = tpu.iota {dimensions = array<i32: 0>} : vector<16xi32>
    %add3A_3 = arith.constant 0 : i32
    %add3A_4 = vector.broadcast %add3A_3 : i32 to vector<16xi32>
    %add3A_5 = arith.addi %iota3A, %add3A_4 : vector<16xi32>
    %add3A_6 = arith.constant 16 : i32
    %add3A_7 = vector.broadcast %add3A_6 : i32 to vector<16xi32>
    %add3A_8 = arith.addi %iota3A, %add3A_7 : vector<16xi32>
    %add3A_9 = arith.constant 32 : i32
    %add3A_10 = vector.broadcast %add3A_9 : i32 to vector<16xi32>
    %add3A_11 = arith.addi %iota3A, %add3A_10 : vector<16xi32>
    %add3A_12 = arith.constant 48 : i32
    %add3A_13 = vector.broadcast %add3A_12 : i32 to vector<16xi32>
    %add3A_14 = arith.addi %iota3A, %add3A_13 : vector<16xi32>
    %add3A_15 = arith.constant 64 : i32
    %add3A_16 = vector.broadcast %add3A_15 : i32 to vector<16xi32>
    %add3A_17 = arith.addi %iota3A, %add3A_16 : vector<16xi32>
    %add3A_18 = arith.constant 80 : i32
    %add3A_19 = vector.broadcast %add3A_18 : i32 to vector<16xi32>
    %add3A_20 = arith.addi %iota3A, %add3A_19 : vector<16xi32>
    %add3A_21 = arith.constant 96 : i32
    %add3A_22 = vector.broadcast %add3A_21 : i32 to vector<16xi32>
    %add3A_23 = arith.addi %iota3A, %add3A_22 : vector<16xi32>
    %add3A_24 = arith.constant 112 : i32
    %add3A_25 = vector.broadcast %add3A_24 : i32 to vector<16xi32>
    %add3A_26 = arith.addi %iota3A, %add3A_25 : vector<16xi32>
    %dma_start3A = arith.constant 0 : i32
    %dma_start3A_27 = arith.constant 0 : i32
    %dma_start3A_28 = arith.constant 0 : i32
    %dma_start3A_29 = arith.constant 0 : i32
    %dma_start3A_30 = tpu.memref_slice %arg5[%dma_start3A, %dma_start3A_27, %dma_start3A_28, %dma_start3A_29] : memref<4x4x8x128xi32, #tpu.memory_space<vmem>> -> memref<1x1x1x128xi32, #tpu.memory_space<vmem>>
    %dma_start3A_31 = tpu.memref_squeeze %dma_start3A_30 : memref<1x1x1x128xi32, #tpu.memory_space<vmem>> -> memref<128xi32, #tpu.memory_space<vmem>>
    %dma_start3A_32 = arith.constant 0 : i32
    %dma_start3A_33 = arith.constant 0 : i32
    %dma_start3A_34 = tpu.memref_slice %arg2[%dma_start3A_32, %dma_start3A_33] : memref<1000000x32xf32, #tpu.memory_space<hbm>> -> memref<1000000x32xf32, #tpu.memory_space<hbm>>
    tpu.enqueue_indirect_dma source(%dma_start3A_34 : memref<1000000x32xf32, #tpu.memory_space<hbm>>) target(%arg6 : memref<128x32xf32, #tpu.memory_space<vmem>>) offsets(%dma_start3A_31 : memref<128xi32, #tpu.memory_space<vmem>>) semaphore(%arg10 : memref<!tpu.dma_semaphore, #tpu.memory_space<semaphore_mem>>)
    %scan3A = arith.constant 0 : i32
    %scan3A_35 = arith.constant 0 : i32
    %scan3A_36 = arith.constant 52 : i32
    %scan3A_37 = arith.addi %scan3A_35, %scan3A_36 : i32
    %scan3A_38 = arith.constant 1 : i32
    scf.for %scan3A_151 = %scan3A_35 to %scan3A_37 step %scan3A_38  : i32 {
      %mul3A_152 = arith.constant 2 : i32
      %mul3A_153 = arith.muli %mul3A_152, %scan3A_151 : i32
      %add3A_154 = arith.constant 0 : i32
      %add3A_155 = arith.addi %mul3A_153, %add3A_154 : i32
      %jit3A = arith.constant 4 : i32
      %div3A = arith.divsi %add3A_155, %jit3A : i32
      %sign3A = arith.constant 0 : i32
      %sign3A_156 = arith.cmpi sgt, %add3A_155, %sign3A : i32
      %sign3A_157 = arith.extui %sign3A_156 : i1 to i32
      %sign3A_158 = arith.constant 0 : i32
      %sign3A_159 = arith.cmpi slt, %add3A_155, %sign3A_158 : i32
      %sign3A_160 = arith.extui %sign3A_159 : i1 to i32
      %sign3A_161 = arith.subi %sign3A_157, %sign3A_160 : i32
      %sign3A_162 = arith.constant 0 : i32
      %sign3A_163 = arith.cmpi sgt, %jit3A, %sign3A_162 : i32
      %sign3A_164 = arith.extui %sign3A_163 : i1 to i32
      %sign3A_165 = arith.constant 0 : i32
      %sign3A_166 = arith.cmpi slt, %jit3A, %sign3A_165 : i32
      %sign3A_167 = arith.extui %sign3A_166 : i1 to i32
      %sign3A_168 = arith.subi %sign3A_164, %sign3A_167 : i32
      %ne3A = arith.cmpi ne, %sign3A_161, %sign3A_168 : i32
      %rem3A = arith.remsi %add3A_155, %jit3A : i32
      %ne3A_169 = arith.constant 0 : i32
      %ne3A_170 = arith.cmpi ne, %rem3A, %ne3A_169 : i32
      %and3A = arith.andi %ne3A, %ne3A_170 : i1
      %sub3A = arith.constant 1 : i32
      %sub3A_171 = arith.subi %div3A, %sub3A : i32
      %select_n3A = arith.select %and3A, %sub3A_171, %div3A : i32
      %jit3A_172 = arith.constant 4 : i32
      %eq3A = arith.constant 0 : i32
      %eq3A_173 = arith.cmpi eq, %jit3A_172, %eq3A : i32
      %jit3A_174 = arith.constant 1 : i32
      %select_n3A_175 = arith.select %eq3A_173, %jit3A_174, %jit3A_172 : i32
      %rem3A_176 = arith.remsi %add3A_155, %select_n3A_175 : i32
      %ne3A_177 = arith.constant 0 : i32
      %ne3A_178 = arith.cmpi ne, %rem3A_176, %ne3A_177 : i32
      %lt3A = arith.constant 0 : i32
      %lt3A_179 = arith.cmpi slt, %rem3A_176, %lt3A : i32
      %lt3A_180 = arith.constant 0 : i32
      %lt3A_181 = arith.cmpi slt, %select_n3A_175, %lt3A_180 : i32
      %ne3A_182 = arith.xori %lt3A_179, %lt3A_181 : i1
      %and3A_183 = arith.andi %ne3A_182, %ne3A_178 : i1
      %add3A_184 = arith.addi %rem3A_176, %select_n3A_175 : i32
      %select_n3A_185 = arith.select %and3A_183, %add3A_184, %rem3A_176 : i32
      %jit3A_186 = arith.constant 8 : i32
      %div3A_187 = arith.divsi %select_n3A, %jit3A_186 : i32
      %sign3A_188 = arith.constant 0 : i32
      %sign3A_189 = arith.cmpi sgt, %select_n3A, %sign3A_188 : i32
      %sign3A_190 = arith.extui %sign3A_189 : i1 to i32
      %sign3A_191 = arith.constant 0 : i32
      %sign3A_192 = arith.cmpi slt, %select_n3A, %sign3A_191 : i32
      %sign3A_193 = arith.extui %sign3A_192 : i1 to i32
      %sign3A_194 = arith.subi %sign3A_190, %sign3A_193 : i32
      %sign3A_195 = arith.constant 0 : i32
      %sign3A_196 = arith.cmpi sgt, %jit3A_186, %sign3A_195 : i32
      %sign3A_197 = arith.extui %sign3A_196 : i1 to i32
      %sign3A_198 = arith.constant 0 : i32
      %sign3A_199 = arith.cmpi slt, %jit3A_186, %sign3A_198 : i32
      %sign3A_200 = arith.extui %sign3A_199 : i1 to i32
      %sign3A_201 = arith.subi %sign3A_197, %sign3A_200 : i32
      %ne3A_202 = arith.cmpi ne, %sign3A_194, %sign3A_201 : i32
      %rem3A_203 = arith.remsi %select_n3A, %jit3A_186 : i32
      %ne3A_204 = arith.constant 0 : i32
      %ne3A_205 = arith.cmpi ne, %rem3A_203, %ne3A_204 : i32
      %and3A_206 = arith.andi %ne3A_202, %ne3A_205 : i1
      %sub3A_207 = arith.constant 1 : i32
      %sub3A_208 = arith.subi %div3A_187, %sub3A_207 : i32
      %select_n3A_209 = arith.select %and3A_206, %sub3A_208, %div3A_187 : i32
      %jit3A_210 = arith.constant 8 : i32
      %eq3A_211 = arith.constant 0 : i32
      %eq3A_212 = arith.cmpi eq, %jit3A_210, %eq3A_211 : i32
      %jit3A_213 = arith.constant 1 : i32
      %select_n3A_214 = arith.select %eq3A_212, %jit3A_213, %jit3A_210 : i32
      %rem3A_215 = arith.remsi %select_n3A, %select_n3A_214 : i32
      %ne3A_216 = arith.constant 0 : i32
      %ne3A_217 = arith.cmpi ne, %rem3A_215, %ne3A_216 : i32
      %lt3A_218 = arith.constant 0 : i32
      %lt3A_219 = arith.cmpi slt, %rem3A_215, %lt3A_218 : i32
      %lt3A_220 = arith.constant 0 : i32
      %lt3A_221 = arith.cmpi slt, %select_n3A_214, %lt3A_220 : i32
      %ne3A_222 = arith.xori %lt3A_219, %lt3A_221 : i1
      %and3A_223 = arith.andi %ne3A_222, %ne3A_217 : i1
      %add3A_224 = arith.addi %rem3A_215, %select_n3A_214 : i32
      %select_n3A_225 = arith.select %and3A_223, %add3A_224, %rem3A_215 : i32
      %dma_wait3A_226 = arith.constant 0 : i32
      %dma_wait3A_227 = tpu.memref_slice %arg5[%select_n3A_209, %select_n3A_185, %select_n3A_225, %dma_wait3A_226] : memref<4x4x8x128xi32, #tpu.memory_space<vmem>> -> memref<1x1x1x128xi32, #tpu.memory_space<vmem>>
      %dma_wait3A_228 = tpu.memref_squeeze %dma_wait3A_227 : memref<1x1x1x128xi32, #tpu.memory_space<vmem>> -> memref<128xi32, #tpu.memory_space<vmem>>
      %dma_wait3A_229 = arith.constant 0 : i32
      %dma_wait3A_230 = arith.constant 0 : i32
      %dma_wait3A_231 = tpu.memref_slice %arg2[%dma_wait3A_229, %dma_wait3A_230] : memref<1000000x32xf32, #tpu.memory_space<hbm>> -> memref<1000000x32xf32, #tpu.memory_space<hbm>>
      tpu.wait_indirect_dma semaphore(%arg10 : memref<!tpu.dma_semaphore, #tpu.memory_space<semaphore_mem>>) src(%dma_wait3A_231 : memref<1000000x32xf32, #tpu.memory_space<hbm>>) dst(%arg6 : memref<128x32xf32, #tpu.memory_space<vmem>>)
      %add3A_232 = arith.constant 1 : i32
      %add3A_233 = arith.addi %add3A_155, %add3A_232 : i32
      %lt3A_234 = arith.constant 104 : i32
      %lt3A_235 = arith.cmpi slt, %add3A_233, %lt3A_234 : i32
      %convert_element_type3A = arith.extui %lt3A_235 : i1 to i32
      %cond3A = arith.constant 0 : i32
      %cond3A_236 = arith.cmpi ne, %convert_element_type3A, %cond3A : i32
      scf.if %cond3A_236 {
        %add3A_540 = arith.constant 1 : i32
        %add3A_541 = arith.addi %add3A_155, %add3A_540 : i32
        %jit3A_542 = arith.constant 4 : i32
        %div3A_543 = arith.divsi %add3A_541, %jit3A_542 : i32
        %sign3A_544 = arith.constant 0 : i32
        %sign3A_545 = arith.cmpi sgt, %add3A_541, %sign3A_544 : i32
        %sign3A_546 = arith.extui %sign3A_545 : i1 to i32
        %sign3A_547 = arith.constant 0 : i32
        %sign3A_548 = arith.cmpi slt, %add3A_541, %sign3A_547 : i32
        %sign3A_549 = arith.extui %sign3A_548 : i1 to i32
        %sign3A_550 = arith.subi %sign3A_546, %sign3A_549 : i32
        %sign3A_551 = arith.constant 0 : i32
        %sign3A_552 = arith.cmpi sgt, %jit3A_542, %sign3A_551 : i32
        %sign3A_553 = arith.extui %sign3A_552 : i1 to i32
        %sign3A_554 = arith.constant 0 : i32
        %sign3A_555 = arith.cmpi slt, %jit3A_542, %sign3A_554 : i32
        %sign3A_556 = arith.extui %sign3A_555 : i1 to i32
        %sign3A_557 = arith.subi %sign3A_553, %sign3A_556 : i32
        %ne3A_558 = arith.cmpi ne, %sign3A_550, %sign3A_557 : i32
        %rem3A_559 = arith.remsi %add3A_541, %jit3A_542 : i32
        %ne3A_560 = arith.constant 0 : i32
        %ne3A_561 = arith.cmpi ne, %rem3A_559, %ne3A_560 : i32
        %and3A_562 = arith.andi %ne3A_558, %ne3A_561 : i1
        %sub3A_563 = arith.constant 1 : i32
        %sub3A_564 = arith.subi %div3A_543, %sub3A_563 : i32
        %select_n3A_565 = arith.select %and3A_562, %sub3A_564, %div3A_543 : i32
        %jit3A_566 = arith.constant 4 : i32
        %eq3A_567 = arith.constant 0 : i32
        %eq3A_568 = arith.cmpi eq, %jit3A_566, %eq3A_567 : i32
        %jit3A_569 = arith.constant 1 : i32
        %select_n3A_570 = arith.select %eq3A_568, %jit3A_569, %jit3A_566 : i32
        %rem3A_571 = arith.remsi %add3A_541, %select_n3A_570 : i32
        %ne3A_572 = arith.constant 0 : i32
        %ne3A_573 = arith.cmpi ne, %rem3A_571, %ne3A_572 : i32
        %lt3A_574 = arith.constant 0 : i32
        %lt3A_575 = arith.cmpi slt, %rem3A_571, %lt3A_574 : i32
        %lt3A_576 = arith.constant 0 : i32
        %lt3A_577 = arith.cmpi slt, %select_n3A_570, %lt3A_576 : i32
        %ne3A_578 = arith.xori %lt3A_575, %lt3A_577 : i1
        %and3A_579 = arith.andi %ne3A_578, %ne3A_573 : i1
        %add3A_580 = arith.addi %rem3A_571, %select_n3A_570 : i32
        %select_n3A_581 = arith.select %and3A_579, %add3A_580, %rem3A_571 : i32
        %jit3A_582 = arith.constant 8 : i32
        %div3A_583 = arith.divsi %select_n3A_565, %jit3A_582 : i32
        %sign3A_584 = arith.constant 0 : i32
        %sign3A_585 = arith.cmpi sgt, %select_n3A_565, %sign3A_584 : i32
        %sign3A_586 = arith.extui %sign3A_585 : i1 to i32
        %sign3A_587 = arith.constant 0 : i32
        %sign3A_588 = arith.cmpi slt, %select_n3A_565, %sign3A_587 : i32
        %sign3A_589 = arith.extui %sign3A_588 : i1 to i32
        %sign3A_590 = arith.subi %sign3A_586, %sign3A_589 : i32
        %sign3A_591 = arith.constant 0 : i32
        %sign3A_592 = arith.cmpi sgt, %jit3A_582, %sign3A_591 : i32
        %sign3A_593 = arith.extui %sign3A_592 : i1 to i32
        %sign3A_594 = arith.constant 0 : i32
        %sign3A_595 = arith.cmpi slt, %jit3A_582, %sign3A_594 : i32
        %sign3A_596 = arith.extui %sign3A_595 : i1 to i32
        %sign3A_597 = arith.subi %sign3A_593, %sign3A_596 : i32
        %ne3A_598 = arith.cmpi ne, %sign3A_590, %sign3A_597 : i32
        %rem3A_599 = arith.remsi %select_n3A_565, %jit3A_582 : i32
        %ne3A_600 = arith.constant 0 : i32
        %ne3A_601 = arith.cmpi ne, %rem3A_599, %ne3A_600 : i32
        %and3A_602 = arith.andi %ne3A_598, %ne3A_601 : i1
        %sub3A_603 = arith.constant 1 : i32
        %sub3A_604 = arith.subi %div3A_583, %sub3A_603 : i32
        %select_n3A_605 = arith.select %and3A_602, %sub3A_604, %div3A_583 : i32
        %jit3A_606 = arith.constant 8 : i32
        %eq3A_607 = arith.constant 0 : i32
        %eq3A_608 = arith.cmpi eq, %jit3A_606, %eq3A_607 : i32
        %jit3A_609 = arith.constant 1 : i32
        %select_n3A_610 = arith.select %eq3A_608, %jit3A_609, %jit3A_606 : i32
        %rem3A_611 = arith.remsi %select_n3A_565, %select_n3A_610 : i32
        %ne3A_612 = arith.constant 0 : i32
        %ne3A_613 = arith.cmpi ne, %rem3A_611, %ne3A_612 : i32
        %lt3A_614 = arith.constant 0 : i32
        %lt3A_615 = arith.cmpi slt, %rem3A_611, %lt3A_614 : i32
        %lt3A_616 = arith.constant 0 : i32
        %lt3A_617 = arith.cmpi slt, %select_n3A_610, %lt3A_616 : i32
        %ne3A_618 = arith.xori %lt3A_615, %lt3A_617 : i1
        %and3A_619 = arith.andi %ne3A_618, %ne3A_613 : i1
        %add3A_620 = arith.addi %rem3A_611, %select_n3A_610 : i32
        %select_n3A_621 = arith.select %and3A_619, %add3A_620, %rem3A_611 : i32
        %dma_start3A_622 = arith.constant 0 : i32
        %dma_start3A_623 = tpu.memref_slice %arg5[%select_n3A_605, %select_n3A_581, %select_n3A_621, %dma_start3A_622] : memref<4x4x8x128xi32, #tpu.memory_space<vmem>> -> memref<1x1x1x128xi32, #tpu.memory_space<vmem>>
        %dma_start3A_624 = tpu.memref_squeeze %dma_start3A_623 : memref<1x1x1x128xi32, #tpu.memory_space<vmem>> -> memref<128xi32, #tpu.memory_space<vmem>>
        %dma_start3A_625 = arith.constant 0 : i32
        %dma_start3A_626 = arith.constant 0 : i32
        %dma_start3A_627 = tpu.memref_slice %arg2[%dma_start3A_625, %dma_start3A_626] : memref<1000000x32xf32, #tpu.memory_space<hbm>> -> memref<1000000x32xf32, #tpu.memory_space<hbm>>
        tpu.enqueue_indirect_dma source(%dma_start3A_627 : memref<1000000x32xf32, #tpu.memory_space<hbm>>) target(%arg7 : memref<128x32xf32, #tpu.memory_space<vmem>>) offsets(%dma_start3A_624 : memref<128xi32, #tpu.memory_space<vmem>>) semaphore(%arg10 : memref<!tpu.dma_semaphore, #tpu.memory_space<semaphore_mem>>)
      } else {
      }
      %ge3A = arith.constant 2 : i32
      %ge3A_237 = arith.cmpi sge, %add3A_155, %ge3A : i32
      %convert_element_type3A_238 = arith.extui %ge3A_237 : i1 to i32
      %cond3A_239 = arith.constant 0 : i32
      %cond3A_240 = arith.cmpi ne, %convert_element_type3A_238, %cond3A_239 : i32
      scf.if %cond3A_240 {
        %sub3A_540 = arith.constant 2 : i32
        %sub3A_541 = arith.subi %add3A_155, %sub3A_540 : i32
        %jit3A_542 = arith.constant 4 : i32
        %div3A_543 = arith.divsi %sub3A_541, %jit3A_542 : i32
        %sign3A_544 = arith.constant 0 : i32
        %sign3A_545 = arith.cmpi sgt, %sub3A_541, %sign3A_544 : i32
        %sign3A_546 = arith.extui %sign3A_545 : i1 to i32
        %sign3A_547 = arith.constant 0 : i32
        %sign3A_548 = arith.cmpi slt, %sub3A_541, %sign3A_547 : i32
        %sign3A_549 = arith.extui %sign3A_548 : i1 to i32
        %sign3A_550 = arith.subi %sign3A_546, %sign3A_549 : i32
        %sign3A_551 = arith.constant 0 : i32
        %sign3A_552 = arith.cmpi sgt, %jit3A_542, %sign3A_551 : i32
        %sign3A_553 = arith.extui %sign3A_552 : i1 to i32
        %sign3A_554 = arith.constant 0 : i32
        %sign3A_555 = arith.cmpi slt, %jit3A_542, %sign3A_554 : i32
        %sign3A_556 = arith.extui %sign3A_555 : i1 to i32
        %sign3A_557 = arith.subi %sign3A_553, %sign3A_556 : i32
        %ne3A_558 = arith.cmpi ne, %sign3A_550, %sign3A_557 : i32
        %rem3A_559 = arith.remsi %sub3A_541, %jit3A_542 : i32
        %ne3A_560 = arith.constant 0 : i32
        %ne3A_561 = arith.cmpi ne, %rem3A_559, %ne3A_560 : i32
        %and3A_562 = arith.andi %ne3A_558, %ne3A_561 : i1
        %sub3A_563 = arith.constant 1 : i32
        %sub3A_564 = arith.subi %div3A_543, %sub3A_563 : i32
        %select_n3A_565 = arith.select %and3A_562, %sub3A_564, %div3A_543 : i32
        %mul3A_566 = arith.constant 4 : i32
        %mul3A_567 = arith.muli %add3A, %mul3A_566 : i32
        %jit3A_568 = arith.constant 4 : i32
        %eq3A_569 = arith.constant 0 : i32
        %eq3A_570 = arith.cmpi eq, %jit3A_568, %eq3A_569 : i32
        %jit3A_571 = arith.constant 1 : i32
        %select_n3A_572 = arith.select %eq3A_570, %jit3A_571, %jit3A_568 : i32
        %rem3A_573 = arith.remsi %sub3A_541, %select_n3A_572 : i32
        %ne3A_574 = arith.constant 0 : i32
        %ne3A_575 = arith.cmpi ne, %rem3A_573, %ne3A_574 : i32
        %lt3A_576 = arith.constant 0 : i32
        %lt3A_577 = arith.cmpi slt, %rem3A_573, %lt3A_576 : i32
        %lt3A_578 = arith.constant 0 : i32
        %lt3A_579 = arith.cmpi slt, %select_n3A_572, %lt3A_578 : i32
        %ne3A_580 = arith.xori %lt3A_577, %lt3A_579 : i1
        %and3A_581 = arith.andi %ne3A_580, %ne3A_575 : i1
        %add3A_582 = arith.addi %rem3A_573, %select_n3A_572 : i32
        %select_n3A_583 = arith.select %and3A_581, %add3A_582, %rem3A_573 : i32
        %add3A_584 = arith.addi %mul3A_567, %select_n3A_583 : i32
        %mul3A_585 = arith.constant 4096 : i32
        %mul3A_586 = arith.muli %select_n3A_565, %mul3A_585 : i32
        %mul3A_587 = arith.constant 8 : i32
        %mul3A_588 = arith.muli %add3A_584, %mul3A_587 : i32
        %add3A_589 = arith.addi %mul3A_586, %mul3A_588 : i32
        %add3A_590 = arith.constant 0 : i32
        %add3A_591 = arith.addi %add3A_589, %add3A_590 : i32
        %add3A_592 = arith.constant 1024 : i32
        %add3A_593 = arith.addi %add3A_589, %add3A_592 : i32
        %add3A_594 = arith.constant 2048 : i32
        %add3A_595 = arith.addi %add3A_589, %add3A_594 : i32
        %add3A_596 = arith.constant 3072 : i32
        %add3A_597 = arith.addi %add3A_589, %add3A_596 : i32
        %dma_wait3A_598 = arith.constant 0 : i32
        %dma_wait3A_599 = arith.constant 0 : i32
        %dma_wait3A_600 = tpu.memref_slice %arg8[%dma_wait3A_598, %dma_wait3A_599] : memref<32x128xf32, #tpu.memory_space<vmem>> -> memref<8x128xf32, #tpu.memory_space<vmem>>
        %dma_wait3A_601 = arith.constant 0 : i32
        %dma_wait3A_602 = tpu.memref_slice %arg4[%add3A_591, %dma_wait3A_601] : memref<106496x128xf32, #tpu.memory_space<hbm>> -> memref<8x128xf32, #tpu.memory_space<hbm>>
        %dma_wait3A_603 = arith.constant 0 : i32
        %dma_wait3A_604 = tpu.memref_slice %arg4[%add3A_591, %dma_wait3A_603] : memref<106496x128xf32, #tpu.memory_space<hbm>> -> memref<8x128xf32, #tpu.memory_space<hbm>>
        %dma_wait3A_605 = arith.constant 0 : i32
        %dma_wait3A_606 = arith.constant 0 : i32
        %dma_wait3A_607 = tpu.memref_slice %arg8[%dma_wait3A_605, %dma_wait3A_606] : memref<32x128xf32, #tpu.memory_space<vmem>> -> memref<8x128xf32, #tpu.memory_space<vmem>>
        tpu.wait_dma2 semaphore(%arg11 : memref<!tpu.dma_semaphore, #tpu.memory_space<semaphore_mem>>) src(%dma_wait3A_607 : memref<8x128xf32, #tpu.memory_space<vmem>>) dst(%dma_wait3A_604 : memref<8x128xf32, #tpu.memory_space<hbm>>)
        %dma_wait3A_608 = arith.constant 8 : i32
        %dma_wait3A_609 = arith.constant 0 : i32
        %dma_wait3A_610 = tpu.memref_slice %arg8[%dma_wait3A_608, %dma_wait3A_609] : memref<32x128xf32, #tpu.memory_space<vmem>> -> memref<8x128xf32, #tpu.memory_space<vmem>>
        %dma_wait3A_611 = arith.constant 0 : i32
        %dma_wait3A_612 = tpu.memref_slice %arg4[%add3A_593, %dma_wait3A_611] : memref<106496x128xf32, #tpu.memory_space<hbm>> -> memref<8x128xf32, #tpu.memory_space<hbm>>
        %dma_wait3A_613 = arith.constant 0 : i32
        %dma_wait3A_614 = tpu.memref_slice %arg4[%add3A_593, %dma_wait3A_613] : memref<106496x128xf32, #tpu.memory_space<hbm>> -> memref<8x128xf32, #tpu.memory_space<hbm>>
        %dma_wait3A_615 = arith.constant 8 : i32
        %dma_wait3A_616 = arith.constant 0 : i32
        %dma_wait3A_617 = tpu.memref_slice %arg8[%dma_wait3A_615, %dma_wait3A_616] : memref<32x128xf32, #tpu.memory_space<vmem>> -> memref<8x128xf32, #tpu.memory_space<vmem>>
        tpu.wait_dma2 semaphore(%arg11 : memref<!tpu.dma_semaphore, #tpu.memory_space<semaphore_mem>>) src(%dma_wait3A_617 : memref<8x128xf32, #tpu.memory_space<vmem>>) dst(%dma_wait3A_614 : memref<8x128xf32, #tpu.memory_space<hbm>>)
        %dma_wait3A_618 = arith.constant 16 : i32
        %dma_wait3A_619 = arith.constant 0 : i32
        %dma_wait3A_620 = tpu.memref_slice %arg8[%dma_wait3A_618, %dma_wait3A_619] : memref<32x128xf32, #tpu.memory_space<vmem>> -> memref<8x128xf32, #tpu.memory_space<vmem>>
        %dma_wait3A_621 = arith.constant 0 : i32
        %dma_wait3A_622 = tpu.memref_slice %arg4[%add3A_595, %dma_wait3A_621] : memref<106496x128xf32, #tpu.memory_space<hbm>> -> memref<8x128xf32, #tpu.memory_space<hbm>>
        %dma_wait3A_623 = arith.constant 0 : i32
        %dma_wait3A_624 = tpu.memref_slice %arg4[%add3A_595, %dma_wait3A_623] : memref<106496x128xf32, #tpu.memory_space<hbm>> -> memref<8x128xf32, #tpu.memory_space<hbm>>
        %dma_wait3A_625 = arith.constant 16 : i32
        %dma_wait3A_626 = arith.constant 0 : i32
        %dma_wait3A_627 = tpu.memref_slice %arg8[%dma_wait3A_625, %dma_wait3A_626] : memref<32x128xf32, #tpu.memory_space<vmem>> -> memref<8x128xf32, #tpu.memory_space<vmem>>
        tpu.wait_dma2 semaphore(%arg11 : memref<!tpu.dma_semaphore, #tpu.memory_space<semaphore_mem>>) src(%dma_wait3A_627 : memref<8x128xf32, #tpu.memory_space<vmem>>) dst(%dma_wait3A_624 : memref<8x128xf32, #tpu.memory_space<hbm>>)
        %dma_wait3A_628 = arith.constant 24 : i32
        %dma_wait3A_629 = arith.constant 0 : i32
        %dma_wait3A_630 = tpu.memref_slice %arg8[%dma_wait3A_628, %dma_wait3A_629] : memref<32x128xf32, #tpu.memory_space<vmem>> -> memref<8x128xf32, #tpu.memory_space<vmem>>
        %dma_wait3A_631 = arith.constant 0 : i32
        %dma_wait3A_632 = tpu.memref_slice %arg4[%add3A_597, %dma_wait3A_631] : memref<106496x128xf32, #tpu.memory_space<hbm>> -> memref<8x128xf32, #tpu.memory_space<hbm>>
        %dma_wait3A_633 = arith.constant 0 : i32
        %dma_wait3A_634 = tpu.memref_slice %arg4[%add3A_597, %dma_wait3A_633] : memref<106496x128xf32, #tpu.memory_space<hbm>> -> memref<8x128xf32, #tpu.memory_space<hbm>>
        %dma_wait3A_635 = arith.constant 24 : i32
        %dma_wait3A_636 = arith.constant 0 : i32
        %dma_wait3A_637 = tpu.memref_slice %arg8[%dma_wait3A_635, %dma_wait3A_636] : memref<32x128xf32, #tpu.memory_space<vmem>> -> memref<8x128xf32, #tpu.memory_space<vmem>>
        tpu.wait_dma2 semaphore(%arg11 : memref<!tpu.dma_semaphore, #tpu.memory_space<semaphore_mem>>) src(%dma_wait3A_637 : memref<8x128xf32, #tpu.memory_space<vmem>>) dst(%dma_wait3A_634 : memref<8x128xf32, #tpu.memory_space<hbm>>)
      } else {
      }
      %parallel_loop3A = arith.constant 0 : i32
      %parallel_loop3A_241 = arith.constant 32 : i32
      %parallel_loop3A_242 = arith.constant 1 : i32
      scf.for %parallel_loop3A_540 = %parallel_loop3A to %parallel_loop3A_241 step %parallel_loop3A_242  : i32 {
        %parallel_loop3A_541 = arith.constant 0 : i32
        %parallel_loop3A_542 = vector.broadcast %parallel_loop3A_541 : i32 to vector<16xi32>
        %parallel_loop3A_543 = vector.broadcast %parallel_loop3A_540 : i32 to vector<16xi32>
        %parallel_loop3A_544 = arith.addi %parallel_loop3A_542, %parallel_loop3A_543 : vector<16xi32>
        %parallel_loop3A_545 = tpu.vector_load_idx %arg6[%add3A_5, %parallel_loop3A_544] : memref<128x32xf32, #tpu.memory_space<vmem>>[vector<16xi32>, vector<16xi32>], vector<16xf32>,
        %parallel_loop3A_546 = arith.index_cast %parallel_loop3A_540 : i32 to index
        %parallel_loop3A_547 = arith.constant 0 : index
        %parallel_loop3A_548 = tpu.vector_load %arg8[%parallel_loop3A_546, %parallel_loop3A_547] {strides = array<i32>} : memref<32x128xf32, #tpu.memory_space<vmem>>, vector<16xf32>,
        tpu.vector_store %arg8[%parallel_loop3A_546, %parallel_loop3A_547], %parallel_loop3A_545 {strides = array<i32>} : memref<32x128xf32, #tpu.memory_space<vmem>>, vector<16xf32>,
        %parallel_loop3A_549 = tpu.vector_load_idx %arg6[%add3A_8, %parallel_loop3A_544] : memref<128x32xf32, #tpu.memory_space<vmem>>[vector<16xi32>, vector<16xi32>], vector<16xf32>,
        %parallel_loop3A_550 = arith.index_cast %parallel_loop3A_540 : i32 to index
        %parallel_loop3A_551 = arith.constant 16 : index
        %parallel_loop3A_552 = tpu.vector_load %arg8[%parallel_loop3A_550, %parallel_loop3A_551] {strides = array<i32>} : memref<32x128xf32, #tpu.memory_space<vmem>>, vector<16xf32>,
        tpu.vector_store %arg8[%parallel_loop3A_550, %parallel_loop3A_551], %parallel_loop3A_549 {strides = array<i32>} : memref<32x128xf32, #tpu.memory_space<vmem>>, vector<16xf32>,
        %parallel_loop3A_553 = tpu.vector_load_idx %arg6[%add3A_11, %parallel_loop3A_544] : memref<128x32xf32, #tpu.memory_space<vmem>>[vector<16xi32>, vector<16xi32>], vector<16xf32>,
        %parallel_loop3A_554 = arith.index_cast %parallel_loop3A_540 : i32 to index
        %parallel_loop3A_555 = arith.constant 32 : index
        %parallel_loop3A_556 = tpu.vector_load %arg8[%parallel_loop3A_554, %parallel_loop3A_555] {strides = array<i32>} : memref<32x128xf32, #tpu.memory_space<vmem>>, vector<16xf32>,
        tpu.vector_store %arg8[%parallel_loop3A_554, %parallel_loop3A_555], %parallel_loop3A_553 {strides = array<i32>} : memref<32x128xf32, #tpu.memory_space<vmem>>, vector<16xf32>,
        %parallel_loop3A_557 = tpu.vector_load_idx %arg6[%add3A_14, %parallel_loop3A_544] : memref<128x32xf32, #tpu.memory_space<vmem>>[vector<16xi32>, vector<16xi32>], vector<16xf32>,
        %parallel_loop3A_558 = arith.index_cast %parallel_loop3A_540 : i32 to index
        %parallel_loop3A_559 = arith.constant 48 : index
        %parallel_loop3A_560 = tpu.vector_load %arg8[%parallel_loop3A_558, %parallel_loop3A_559] {strides = array<i32>} : memref<32x128xf32, #tpu.memory_space<vmem>>, vector<16xf32>,
        tpu.vector_store %arg8[%parallel_loop3A_558, %parallel_loop3A_559], %parallel_loop3A_557 {strides = array<i32>} : memref<32x128xf32, #tpu.memory_space<vmem>>, vector<16xf32>,
        %parallel_loop3A_561 = tpu.vector_load_idx %arg6[%add3A_17, %parallel_loop3A_544] : memref<128x32xf32, #tpu.memory_space<vmem>>[vector<16xi32>, vector<16xi32>], vector<16xf32>,
        %parallel_loop3A_562 = arith.index_cast %parallel_loop3A_540 : i32 to index
        %parallel_loop3A_563 = arith.constant 64 : index
        %parallel_loop3A_564 = tpu.vector_load %arg8[%parallel_loop3A_562, %parallel_loop3A_563] {strides = array<i32>} : memref<32x128xf32, #tpu.memory_space<vmem>>, vector<16xf32>,
        tpu.vector_store %arg8[%parallel_loop3A_562, %parallel_loop3A_563], %parallel_loop3A_561 {strides = array<i32>} : memref<32x128xf32, #tpu.memory_space<vmem>>, vector<16xf32>,
        %parallel_loop3A_565 = tpu.vector_load_idx %arg6[%add3A_20, %parallel_loop3A_544] : memref<128x32xf32, #tpu.memory_space<vmem>>[vector<16xi32>, vector<16xi32>], vector<16xf32>,
        %parallel_loop3A_566 = arith.index_cast %parallel_loop3A_540 : i32 to index
        %parallel_loop3A_567 = arith.constant 80 : index
        %parallel_loop3A_568 = tpu.vector_load %arg8[%parallel_loop3A_566, %parallel_loop3A_567] {strides = array<i32>} : memref<32x128xf32, #tpu.memory_space<vmem>>, vector<16xf32>,
        tpu.vector_store %arg8[%parallel_loop3A_566, %parallel_loop3A_567], %parallel_loop3A_565 {strides = array<i32>} : memref<32x128xf32, #tpu.memory_space<vmem>>, vector<16xf32>,
        %parallel_loop3A_569 = tpu.vector_load_idx %arg6[%add3A_23, %parallel_loop3A_544] : memref<128x32xf32, #tpu.memory_space<vmem>>[vector<16xi32>, vector<16xi32>], vector<16xf32>,
        %parallel_loop3A_570 = arith.index_cast %parallel_loop3A_540 : i32 to index
        %parallel_loop3A_571 = arith.constant 96 : index
        %parallel_loop3A_572 = tpu.vector_load %arg8[%parallel_loop3A_570, %parallel_loop3A_571] {strides = array<i32>} : memref<32x128xf32, #tpu.memory_space<vmem>>, vector<16xf32>,
        tpu.vector_store %arg8[%parallel_loop3A_570, %parallel_loop3A_571], %parallel_loop3A_569 {strides = array<i32>} : memref<32x128xf32, #tpu.memory_space<vmem>>, vector<16xf32>,
        %parallel_loop3A_573 = tpu.vector_load_idx %arg6[%add3A_26, %parallel_loop3A_544] : memref<128x32xf32, #tpu.memory_space<vmem>>[vector<16xi32>, vector<16xi32>], vector<16xf32>,
        %parallel_loop3A_574 = arith.index_cast %parallel_loop3A_540 : i32 to index
        %parallel_loop3A_575 = arith.constant 112 : index
        %parallel_loop3A_576 = tpu.vector_load %arg8[%parallel_loop3A_574, %parallel_loop3A_575] {strides = array<i32>} : memref<32x128xf32, #tpu.memory_space<vmem>>, vector<16xf32>,
        tpu.vector_store %arg8[%parallel_loop3A_574, %parallel_loop3A_575], %parallel_loop3A_573 {strides = array<i32>} : memref<32x128xf32, #tpu.memory_space<vmem>>, vector<16xf32>,
      } {sc.loop_unroll_factor = 4 : i64, sc.parallel_access}
      %jit3A_243 = arith.constant 4 : i32
      %div3A_244 = arith.divsi %add3A_155, %jit3A_243 : i32
      %sign3A_245 = arith.constant 0 : i32
      %sign3A_246 = arith.cmpi sgt, %add3A_155, %sign3A_245 : i32
      %sign3A_247 = arith.extui %sign3A_246 : i1 to i32
      %sign3A_248 = arith.constant 0 : i32
      %sign3A_249 = arith.cmpi slt, %add3A_155, %sign3A_248 : i32
      %sign3A_250 = arith.extui %sign3A_249 : i1 to i32
      %sign3A_251 = arith.subi %sign3A_247, %sign3A_250 : i32
      %sign3A_252 = arith.constant 0 : i32
      %sign3A_253 = arith.cmpi sgt, %jit3A_243, %sign3A_252 : i32
      %sign3A_254 = arith.extui %sign3A_253 : i1 to i32
      %sign3A_255 = arith.constant 0 : i32
      %sign3A_256 = arith.cmpi slt, %jit3A_243, %sign3A_255 : i32
      %sign3A_257 = arith.extui %sign3A_256 : i1 to i32
      %sign3A_258 = arith.subi %sign3A_254, %sign3A_257 : i32
      %ne3A_259 = arith.cmpi ne, %sign3A_251, %sign3A_258 : i32
      %rem3A_260 = arith.remsi %add3A_155, %jit3A_243 : i32
      %ne3A_261 = arith.constant 0 : i32
      %ne3A_262 = arith.cmpi ne, %rem3A_260, %ne3A_261 : i32
      %and3A_263 = arith.andi %ne3A_259, %ne3A_262 : i1
      %sub3A_264 = arith.constant 1 : i32
      %sub3A_265 = arith.subi %div3A_244, %sub3A_264 : i32
      %select_n3A_266 = arith.select %and3A_263, %sub3A_265, %div3A_244 : i32
      %mul3A_267 = arith.constant 4 : i32
      %mul3A_268 = arith.muli %add3A, %mul3A_267 : i32
      %jit3A_269 = arith.constant 4 : i32
      %eq3A_270 = arith.constant 0 : i32
      %eq3A_271 = arith.cmpi eq, %jit3A_269, %eq3A_270 : i32
      %jit3A_272 = arith.constant 1 : i32
      %select_n3A_273 = arith.select %eq3A_271, %jit3A_272, %jit3A_269 : i32
      %rem3A_274 = arith.remsi %add3A_155, %select_n3A_273 : i32
      %ne3A_275 = arith.constant 0 : i32
      %ne3A_276 = arith.cmpi ne, %rem3A_274, %ne3A_275 : i32
      %lt3A_277 = arith.constant 0 : i32
      %lt3A_278 = arith.cmpi slt, %rem3A_274, %lt3A_277 : i32
      %lt3A_279 = arith.constant 0 : i32
      %lt3A_280 = arith.cmpi slt, %select_n3A_273, %lt3A_279 : i32
      %ne3A_281 = arith.xori %lt3A_278, %lt3A_280 : i1
      %and3A_282 = arith.andi %ne3A_281, %ne3A_276 : i1
      %add3A_283 = arith.addi %rem3A_274, %select_n3A_273 : i32
      %select_n3A_284 = arith.select %and3A_282, %add3A_283, %rem3A_274 : i32
      %add3A_285 = arith.addi %mul3A_268, %select_n3A_284 : i32
      %mul3A_286 = arith.constant 4096 : i32
      %mul3A_287 = arith.muli %select_n3A_266, %mul3A_286 : i32
      %mul3A_288 = arith.constant 8 : i32
      %mul3A_289 = arith.muli %add3A_285, %mul3A_288 : i32
      %add3A_290 = arith.addi %mul3A_287, %mul3A_289 : i32
      %add3A_291 = arith.constant 0 : i32
      %add3A_292 = arith.addi %add3A_290, %add3A_291 : i32
      %add3A_293 = arith.constant 1024 : i32
      %add3A_294 = arith.addi %add3A_290, %add3A_293 : i32
      %add3A_295 = arith.constant 2048 : i32
      %add3A_296 = arith.addi %add3A_290, %add3A_295 : i32
      %add3A_297 = arith.constant 3072 : i32
      %add3A_298 = arith.addi %add3A_290, %add3A_297 : i32
      %dma_start3A_299 = arith.constant 0 : i32
      %dma_start3A_300 = arith.constant 0 : i32
      %dma_start3A_301 = tpu.memref_slice %arg8[%dma_start3A_299, %dma_start3A_300] : memref<32x128xf32, #tpu.memory_space<vmem>> -> memref<8x128xf32, #tpu.memory_space<vmem>>
      %dma_start3A_302 = arith.constant 0 : i32
      %dma_start3A_303 = tpu.memref_slice %arg4[%add3A_292, %dma_start3A_302] : memref<106496x128xf32, #tpu.memory_space<hbm>> -> memref<8x128xf32, #tpu.memory_space<hbm>>
      %dma_start3A_304 = arith.constant 0 : i32
      %dma_start3A_305 = tpu.memref_slice %arg4[%add3A_292, %dma_start3A_304] : memref<106496x128xf32, #tpu.memory_space<hbm>> -> memref<8x128xf32, #tpu.memory_space<hbm>>
      %dma_start3A_306 = arith.constant 0 : i32
      %dma_start3A_307 = arith.constant 0 : i32
      %dma_start3A_308 = tpu.memref_slice %arg8[%dma_start3A_306, %dma_start3A_307] : memref<32x128xf32, #tpu.memory_space<vmem>> -> memref<8x128xf32, #tpu.memory_space<vmem>>
      tpu.enqueue_dma source(%dma_start3A_308 : memref<8x128xf32, #tpu.memory_space<vmem>>) target(%dma_start3A_305 : memref<8x128xf32, #tpu.memory_space<hbm>>) target_semaphore(%arg11 : memref<!tpu.dma_semaphore, #tpu.memory_space<semaphore_mem>>)
      %dma_start3A_309 = arith.constant 8 : i32
      %dma_start3A_310 = arith.constant 0 : i32
      %dma_start3A_311 = tpu.memref_slice %arg8[%dma_start3A_309, %dma_start3A_310] : memref<32x128xf32, #tpu.memory_space<vmem>> -> memref<8x128xf32, #tpu.memory_space<vmem>>
      %dma_start3A_312 = arith.constant 0 : i32
      %dma_start3A_313 = tpu.memref_slice %arg4[%add3A_294, %dma_start3A_312] : memref<106496x128xf32, #tpu.memory_space<hbm>> -> memref<8x128xf32, #tpu.memory_space<hbm>>
      %dma_start3A_314 = arith.constant 0 : i32
      %dma_start3A_315 = tpu.memref_slice %arg4[%add3A_294, %dma_start3A_314] : memref<106496x128xf32, #tpu.memory_space<hbm>> -> memref<8x128xf32, #tpu.memory_space<hbm>>
      %dma_start3A_316 = arith.constant 8 : i32
      %dma_start3A_317 = arith.constant 0 : i32
      %dma_start3A_318 = tpu.memref_slice %arg8[%dma_start3A_316, %dma_start3A_317] : memref<32x128xf32, #tpu.memory_space<vmem>> -> memref<8x128xf32, #tpu.memory_space<vmem>>
      tpu.enqueue_dma source(%dma_start3A_318 : memref<8x128xf32, #tpu.memory_space<vmem>>) target(%dma_start3A_315 : memref<8x128xf32, #tpu.memory_space<hbm>>) target_semaphore(%arg11 : memref<!tpu.dma_semaphore, #tpu.memory_space<semaphore_mem>>)
      %dma_start3A_319 = arith.constant 16 : i32
      %dma_start3A_320 = arith.constant 0 : i32
      %dma_start3A_321 = tpu.memref_slice %arg8[%dma_start3A_319, %dma_start3A_320] : memref<32x128xf32, #tpu.memory_space<vmem>> -> memref<8x128xf32, #tpu.memory_space<vmem>>
      %dma_start3A_322 = arith.constant 0 : i32
      %dma_start3A_323 = tpu.memref_slice %arg4[%add3A_296, %dma_start3A_322] : memref<106496x128xf32, #tpu.memory_space<hbm>> -> memref<8x128xf32, #tpu.memory_space<hbm>>
      %dma_start3A_324 = arith.constant 0 : i32
      %dma_start3A_325 = tpu.memref_slice %arg4[%add3A_296, %dma_start3A_324] : memref<106496x128xf32, #tpu.memory_space<hbm>> -> memref<8x128xf32, #tpu.memory_space<hbm>>
      %dma_start3A_326 = arith.constant 16 : i32
      %dma_start3A_327 = arith.constant 0 : i32
      %dma_start3A_328 = tpu.memref_slice %arg8[%dma_start3A_326, %dma_start3A_327] : memref<32x128xf32, #tpu.memory_space<vmem>> -> memref<8x128xf32, #tpu.memory_space<vmem>>
      tpu.enqueue_dma source(%dma_start3A_328 : memref<8x128xf32, #tpu.memory_space<vmem>>) target(%dma_start3A_325 : memref<8x128xf32, #tpu.memory_space<hbm>>) target_semaphore(%arg11 : memref<!tpu.dma_semaphore, #tpu.memory_space<semaphore_mem>>)
      %dma_start3A_329 = arith.constant 24 : i32
      %dma_start3A_330 = arith.constant 0 : i32
      %dma_start3A_331 = tpu.memref_slice %arg8[%dma_start3A_329, %dma_start3A_330] : memref<32x128xf32, #tpu.memory_space<vmem>> -> memref<8x128xf32, #tpu.memory_space<vmem>>
      %dma_start3A_332 = arith.constant 0 : i32
      %dma_start3A_333 = tpu.memref_slice %arg4[%add3A_298, %dma_start3A_332] : memref<106496x128xf32, #tpu.memory_space<hbm>> -> memref<8x128xf32, #tpu.memory_space<hbm>>
      %dma_start3A_334 = arith.constant 0 : i32
      %dma_start3A_335 = tpu.memref_slice %arg4[%add3A_298, %dma_start3A_334] : memref<106496x128xf32, #tpu.memory_space<hbm>> -> memref<8x128xf32, #tpu.memory_space<hbm>>
      %dma_start3A_336 = arith.constant 24 : i32
      %dma_start3A_337 = arith.constant 0 : i32
      %dma_start3A_338 = tpu.memref_slice %arg8[%dma_start3A_336, %dma_start3A_337] : memref<32x128xf32, #tpu.memory_space<vmem>> -> memref<8x128xf32, #tpu.memory_space<vmem>>
      tpu.enqueue_dma source(%dma_start3A_338 : memref<8x128xf32, #tpu.memory_space<vmem>>) target(%dma_start3A_335 : memref<8x128xf32, #tpu.memory_space<hbm>>) target_semaphore(%arg11 : memref<!tpu.dma_semaphore, #tpu.memory_space<semaphore_mem>>)
      %mul3A_339 = arith.constant 2 : i32
      %mul3A_340 = arith.muli %mul3A_339, %scan3A_151 : i32
      %add3A_341 = arith.constant 1 : i32
      %add3A_342 = arith.addi %mul3A_340, %add3A_341 : i32
      %jit3A_343 = arith.constant 4 : i32
      %div3A_344 = arith.divsi %add3A_342, %jit3A_343 : i32
      %sign3A_345 = arith.constant 0 : i32
      %sign3A_346 = arith.cmpi sgt, %add3A_342, %sign3A_345 : i32
      %sign3A_347 = arith.extui %sign3A_346 : i1 to i32
      %sign3A_348 = arith.constant 0 : i32
      %sign3A_349 = arith.cmpi slt, %add3A_342, %sign3A_348 : i32
      %sign3A_350 = arith.extui %sign3A_349 : i1 to i32
      %sign3A_351 = arith.subi %sign3A_347, %sign3A_350 : i32
      %sign3A_352 = arith.constant 0 : i32
      %sign3A_353 = arith.cmpi sgt, %jit3A_343, %sign3A_352 : i32
      %sign3A_354 = arith.extui %sign3A_353 : i1 to i32
      %sign3A_355 = arith.constant 0 : i32
      %sign3A_356 = arith.cmpi slt, %jit3A_343, %sign3A_355 : i32
      %sign3A_357 = arith.extui %sign3A_356 : i1 to i32
      %sign3A_358 = arith.subi %sign3A_354, %sign3A_357 : i32
      %ne3A_359 = arith.cmpi ne, %sign3A_351, %sign3A_358 : i32
      %rem3A_360 = arith.remsi %add3A_342, %jit3A_343 : i32
      %ne3A_361 = arith.constant 0 : i32
      %ne3A_362 = arith.cmpi ne, %rem3A_360, %ne3A_361 : i32
      %and3A_363 = arith.andi %ne3A_359, %ne3A_362 : i1
      %sub3A_364 = arith.constant 1 : i32
      %sub3A_365 = arith.subi %div3A_344, %sub3A_364 : i32
      %select_n3A_366 = arith.select %and3A_363, %sub3A_365, %div3A_344 : i32
      %jit3A_367 = arith.constant 4 : i32
      %eq3A_368 = arith.constant 0 : i32
      %eq3A_369 = arith.cmpi eq, %jit3A_367, %eq3A_368 : i32
      %jit3A_370 = arith.constant 1 : i32
      %select_n3A_371 = arith.select %eq3A_369, %jit3A_370, %jit3A_367 : i32
      %rem3A_372 = arith.remsi %add3A_342, %select_n3A_371 : i32
      %ne3A_373 = arith.constant 0 : i32
      %ne3A_374 = arith.cmpi ne, %rem3A_372, %ne3A_373 : i32
      %lt3A_375 = arith.constant 0 : i32
      %lt3A_376 = arith.cmpi slt, %rem3A_372, %lt3A_375 : i32
      %lt3A_377 = arith.constant 0 : i32
      %lt3A_378 = arith.cmpi slt, %select_n3A_371, %lt3A_377 : i32
      %ne3A_379 = arith.xori %lt3A_376, %lt3A_378 : i1
      %and3A_380 = arith.andi %ne3A_379, %ne3A_374 : i1
      %add3A_381 = arith.addi %rem3A_372, %select_n3A_371 : i32
      %select_n3A_382 = arith.select %and3A_380, %add3A_381, %rem3A_372 : i32
      %jit3A_383 = arith.constant 8 : i32
      %div3A_384 = arith.divsi %select_n3A_366, %jit3A_383 : i32
      %sign3A_385 = arith.constant 0 : i32
      %sign3A_386 = arith.cmpi sgt, %select_n3A_366, %sign3A_385 : i32
      %sign3A_387 = arith.extui %sign3A_386 : i1 to i32
      %sign3A_388 = arith.constant 0 : i32
      %sign3A_389 = arith.cmpi slt, %select_n3A_366, %sign3A_388 : i32
      %sign3A_390 = arith.extui %sign3A_389 : i1 to i32
      %sign3A_391 = arith.subi %sign3A_387, %sign3A_390 : i32
      %sign3A_392 = arith.constant 0 : i32
      %sign3A_393 = arith.cmpi sgt, %jit3A_383, %sign3A_392 : i32
      %sign3A_394 = arith.extui %sign3A_393 : i1 to i32
      %sign3A_395 = arith.constant 0 : i32
      %sign3A_396 = arith.cmpi slt, %jit3A_383, %sign3A_395 : i32
      %sign3A_397 = arith.extui %sign3A_396 : i1 to i32
      %sign3A_398 = arith.subi %sign3A_394, %sign3A_397 : i32
      %ne3A_399 = arith.cmpi ne, %sign3A_391, %sign3A_398 : i32
      %rem3A_400 = arith.remsi %select_n3A_366, %jit3A_383 : i32
      %ne3A_401 = arith.constant 0 : i32
      %ne3A_402 = arith.cmpi ne, %rem3A_400, %ne3A_401 : i32
      %and3A_403 = arith.andi %ne3A_399, %ne3A_402 : i1
      %sub3A_404 = arith.constant 1 : i32
      %sub3A_405 = arith.subi %div3A_384, %sub3A_404 : i32
      %select_n3A_406 = arith.select %and3A_403, %sub3A_405, %div3A_384 : i32
      %jit3A_407 = arith.constant 8 : i32
      %eq3A_408 = arith.constant 0 : i32
      %eq3A_409 = arith.cmpi eq, %jit3A_407, %eq3A_408 : i32
      %jit3A_410 = arith.constant 1 : i32
      %select_n3A_411 = arith.select %eq3A_409, %jit3A_410, %jit3A_407 : i32
      %rem3A_412 = arith.remsi %select_n3A_366, %select_n3A_411 : i32
      %ne3A_413 = arith.constant 0 : i32
      %ne3A_414 = arith.cmpi ne, %rem3A_412, %ne3A_413 : i32
      %lt3A_415 = arith.constant 0 : i32
      %lt3A_416 = arith.cmpi slt, %rem3A_412, %lt3A_415 : i32
      %lt3A_417 = arith.constant 0 : i32
      %lt3A_418 = arith.cmpi slt, %select_n3A_411, %lt3A_417 : i32
      %ne3A_419 = arith.xori %lt3A_416, %lt3A_418 : i1
      %and3A_420 = arith.andi %ne3A_419, %ne3A_414 : i1
      %add3A_421 = arith.addi %rem3A_412, %select_n3A_411 : i32
      %select_n3A_422 = arith.select %and3A_420, %add3A_421, %rem3A_412 : i32
      %dma_wait3A_423 = arith.constant 0 : i32
      %dma_wait3A_424 = tpu.memref_slice %arg5[%select_n3A_406, %select_n3A_382, %select_n3A_422, %dma_wait3A_423] : memref<4x4x8x128xi32, #tpu.memory_space<vmem>> -> memref<1x1x1x128xi32, #tpu.memory_space<vmem>>
      %dma_wait3A_425 = tpu.memref_squeeze %dma_wait3A_424 : memref<1x1x1x128xi32, #tpu.memory_space<vmem>> -> memref<128xi32, #tpu.memory_space<vmem>>
      %dma_wait3A_426 = arith.constant 0 : i32
      %dma_wait3A_427 = arith.constant 0 : i32
      %dma_wait3A_428 = tpu.memref_slice %arg2[%dma_wait3A_426, %dma_wait3A_427] : memref<1000000x32xf32, #tpu.memory_space<hbm>> -> memref<1000000x32xf32, #tpu.memory_space<hbm>>
      tpu.wait_indirect_dma semaphore(%arg10 : memref<!tpu.dma_semaphore, #tpu.memory_space<semaphore_mem>>) src(%dma_wait3A_428 : memref<1000000x32xf32, #tpu.memory_space<hbm>>) dst(%arg7 : memref<128x32xf32, #tpu.memory_space<vmem>>)
      %add3A_429 = arith.constant 1 : i32
      %add3A_430 = arith.addi %add3A_342, %add3A_429 : i32
      %lt3A_431 = arith.constant 104 : i32
      %lt3A_432 = arith.cmpi slt, %add3A_430, %lt3A_431 : i32
      %convert_element_type3A_433 = arith.extui %lt3A_432 : i1 to i32
      %cond3A_434 = arith.constant 0 : i32
      %cond3A_435 = arith.cmpi ne, %convert_element_type3A_433, %cond3A_434 : i32
      scf.if %cond3A_435 {
        %add3A_540 = arith.constant 1 : i32
        %add3A_541 = arith.addi %add3A_342, %add3A_540 : i32
        %jit3A_542 = arith.constant 4 : i32
        %div3A_543 = arith.divsi %add3A_541, %jit3A_542 : i32
        %sign3A_544 = arith.constant 0 : i32
        %sign3A_545 = arith.cmpi sgt, %add3A_541, %sign3A_544 : i32
        %sign3A_546 = arith.extui %sign3A_545 : i1 to i32
        %sign3A_547 = arith.constant 0 : i32
        %sign3A_548 = arith.cmpi slt, %add3A_541, %sign3A_547 : i32
        %sign3A_549 = arith.extui %sign3A_548 : i1 to i32
        %sign3A_550 = arith.subi %sign3A_546, %sign3A_549 : i32
        %sign3A_551 = arith.constant 0 : i32
        %sign3A_552 = arith.cmpi sgt, %jit3A_542, %sign3A_551 : i32
        %sign3A_553 = arith.extui %sign3A_552 : i1 to i32
        %sign3A_554 = arith.constant 0 : i32
        %sign3A_555 = arith.cmpi slt, %jit3A_542, %sign3A_554 : i32
        %sign3A_556 = arith.extui %sign3A_555 : i1 to i32
        %sign3A_557 = arith.subi %sign3A_553, %sign3A_556 : i32
        %ne3A_558 = arith.cmpi ne, %sign3A_550, %sign3A_557 : i32
        %rem3A_559 = arith.remsi %add3A_541, %jit3A_542 : i32
        %ne3A_560 = arith.constant 0 : i32
        %ne3A_561 = arith.cmpi ne, %rem3A_559, %ne3A_560 : i32
        %and3A_562 = arith.andi %ne3A_558, %ne3A_561 : i1
        %sub3A_563 = arith.constant 1 : i32
        %sub3A_564 = arith.subi %div3A_543, %sub3A_563 : i32
        %select_n3A_565 = arith.select %and3A_562, %sub3A_564, %div3A_543 : i32
        %jit3A_566 = arith.constant 4 : i32
        %eq3A_567 = arith.constant 0 : i32
        %eq3A_568 = arith.cmpi eq, %jit3A_566, %eq3A_567 : i32
        %jit3A_569 = arith.constant 1 : i32
        %select_n3A_570 = arith.select %eq3A_568, %jit3A_569, %jit3A_566 : i32
        %rem3A_571 = arith.remsi %add3A_541, %select_n3A_570 : i32
        %ne3A_572 = arith.constant 0 : i32
        %ne3A_573 = arith.cmpi ne, %rem3A_571, %ne3A_572 : i32
        %lt3A_574 = arith.constant 0 : i32
        %lt3A_575 = arith.cmpi slt, %rem3A_571, %lt3A_574 : i32
        %lt3A_576 = arith.constant 0 : i32
        %lt3A_577 = arith.cmpi slt, %select_n3A_570, %lt3A_576 : i32
        %ne3A_578 = arith.xori %lt3A_575, %lt3A_577 : i1
        %and3A_579 = arith.andi %ne3A_578, %ne3A_573 : i1
        %add3A_580 = arith.addi %rem3A_571, %select_n3A_570 : i32
        %select_n3A_581 = arith.select %and3A_579, %add3A_580, %rem3A_571 : i32
        %jit3A_582 = arith.constant 8 : i32
        %div3A_583 = arith.divsi %select_n3A_565, %jit3A_582 : i32
        %sign3A_584 = arith.constant 0 : i32
        %sign3A_585 = arith.cmpi sgt, %select_n3A_565, %sign3A_584 : i32
        %sign3A_586 = arith.extui %sign3A_585 : i1 to i32
        %sign3A_587 = arith.constant 0 : i32
        %sign3A_588 = arith.cmpi slt, %select_n3A_565, %sign3A_587 : i32
        %sign3A_589 = arith.extui %sign3A_588 : i1 to i32
        %sign3A_590 = arith.subi %sign3A_586, %sign3A_589 : i32
        %sign3A_591 = arith.constant 0 : i32
        %sign3A_592 = arith.cmpi sgt, %jit3A_582, %sign3A_591 : i32
        %sign3A_593 = arith.extui %sign3A_592 : i1 to i32
        %sign3A_594 = arith.constant 0 : i32
        %sign3A_595 = arith.cmpi slt, %jit3A_582, %sign3A_594 : i32
        %sign3A_596 = arith.extui %sign3A_595 : i1 to i32
        %sign3A_597 = arith.subi %sign3A_593, %sign3A_596 : i32
        %ne3A_598 = arith.cmpi ne, %sign3A_590, %sign3A_597 : i32
        %rem3A_599 = arith.remsi %select_n3A_565, %jit3A_582 : i32
        %ne3A_600 = arith.constant 0 : i32
        %ne3A_601 = arith.cmpi ne, %rem3A_599, %ne3A_600 : i32
        %and3A_602 = arith.andi %ne3A_598, %ne3A_601 : i1
        %sub3A_603 = arith.constant 1 : i32
        %sub3A_604 = arith.subi %div3A_583, %sub3A_603 : i32
        %select_n3A_605 = arith.select %and3A_602, %sub3A_604, %div3A_583 : i32
        %jit3A_606 = arith.constant 8 : i32
        %eq3A_607 = arith.constant 0 : i32
        %eq3A_608 = arith.cmpi eq, %jit3A_606, %eq3A_607 : i32
        %jit3A_609 = arith.constant 1 : i32
        %select_n3A_610 = arith.select %eq3A_608, %jit3A_609, %jit3A_606 : i32
        %rem3A_611 = arith.remsi %select_n3A_565, %select_n3A_610 : i32
        %ne3A_612 = arith.constant 0 : i32
        %ne3A_613 = arith.cmpi ne, %rem3A_611, %ne3A_612 : i32
        %lt3A_614 = arith.constant 0 : i32
        %lt3A_615 = arith.cmpi slt, %rem3A_611, %lt3A_614 : i32
        %lt3A_616 = arith.constant 0 : i32
        %lt3A_617 = arith.cmpi slt, %select_n3A_610, %lt3A_616 : i32
        %ne3A_618 = arith.xori %lt3A_615, %lt3A_617 : i1
        %and3A_619 = arith.andi %ne3A_618, %ne3A_613 : i1
        %add3A_620 = arith.addi %rem3A_611, %select_n3A_610 : i32
        %select_n3A_621 = arith.select %and3A_619, %add3A_620, %rem3A_611 : i32
        %dma_start3A_622 = arith.constant 0 : i32
        %dma_start3A_623 = tpu.memref_slice %arg5[%select_n3A_605, %select_n3A_581, %select_n3A_621, %dma_start3A_622] : memref<4x4x8x128xi32, #tpu.memory_space<vmem>> -> memref<1x1x1x128xi32, #tpu.memory_space<vmem>>
        %dma_start3A_624 = tpu.memref_squeeze %dma_start3A_623 : memref<1x1x1x128xi32, #tpu.memory_space<vmem>> -> memref<128xi32, #tpu.memory_space<vmem>>
        %dma_start3A_625 = arith.constant 0 : i32
        %dma_start3A_626 = arith.constant 0 : i32
        %dma_start3A_627 = tpu.memref_slice %arg2[%dma_start3A_625, %dma_start3A_626] : memref<1000000x32xf32, #tpu.memory_space<hbm>> -> memref<1000000x32xf32, #tpu.memory_space<hbm>>
        tpu.enqueue_indirect_dma source(%dma_start3A_627 : memref<1000000x32xf32, #tpu.memory_space<hbm>>) target(%arg6 : memref<128x32xf32, #tpu.memory_space<vmem>>) offsets(%dma_start3A_624 : memref<128xi32, #tpu.memory_space<vmem>>) semaphore(%arg10 : memref<!tpu.dma_semaphore, #tpu.memory_space<semaphore_mem>>)
      } else {
      }
      %ge3A_436 = arith.constant 2 : i32
      %ge3A_437 = arith.cmpi sge, %add3A_342, %ge3A_436 : i32
      %convert_element_type3A_438 = arith.extui %ge3A_437 : i1 to i32
      %cond3A_439 = arith.constant 0 : i32
      %cond3A_440 = arith.cmpi ne, %convert_element_type3A_438, %cond3A_439 : i32
      scf.if %cond3A_440 {
        %sub3A_540 = arith.constant 2 : i32
        %sub3A_541 = arith.subi %add3A_342, %sub3A_540 : i32
        %jit3A_542 = arith.constant 4 : i32
        %div3A_543 = arith.divsi %sub3A_541, %jit3A_542 : i32
        %sign3A_544 = arith.constant 0 : i32
        %sign3A_545 = arith.cmpi sgt, %sub3A_541, %sign3A_544 : i32
        %sign3A_546 = arith.extui %sign3A_545 : i1 to i32
        %sign3A_547 = arith.constant 0 : i32
        %sign3A_548 = arith.cmpi slt, %sub3A_541, %sign3A_547 : i32
        %sign3A_549 = arith.extui %sign3A_548 : i1 to i32
        %sign3A_550 = arith.subi %sign3A_546, %sign3A_549 : i32
        %sign3A_551 = arith.constant 0 : i32
        %sign3A_552 = arith.cmpi sgt, %jit3A_542, %sign3A_551 : i32
        %sign3A_553 = arith.extui %sign3A_552 : i1 to i32
        %sign3A_554 = arith.constant 0 : i32
        %sign3A_555 = arith.cmpi slt, %jit3A_542, %sign3A_554 : i32
        %sign3A_556 = arith.extui %sign3A_555 : i1 to i32
        %sign3A_557 = arith.subi %sign3A_553, %sign3A_556 : i32
        %ne3A_558 = arith.cmpi ne, %sign3A_550, %sign3A_557 : i32
        %rem3A_559 = arith.remsi %sub3A_541, %jit3A_542 : i32
        %ne3A_560 = arith.constant 0 : i32
        %ne3A_561 = arith.cmpi ne, %rem3A_559, %ne3A_560 : i32
        %and3A_562 = arith.andi %ne3A_558, %ne3A_561 : i1
        %sub3A_563 = arith.constant 1 : i32
        %sub3A_564 = arith.subi %div3A_543, %sub3A_563 : i32
        %select_n3A_565 = arith.select %and3A_562, %sub3A_564, %div3A_543 : i32
        %mul3A_566 = arith.constant 4 : i32
        %mul3A_567 = arith.muli %add3A, %mul3A_566 : i32
        %jit3A_568 = arith.constant 4 : i32
        %eq3A_569 = arith.constant 0 : i32
        %eq3A_570 = arith.cmpi eq, %jit3A_568, %eq3A_569 : i32
        %jit3A_571 = arith.constant 1 : i32
        %select_n3A_572 = arith.select %eq3A_570, %jit3A_571, %jit3A_568 : i32
        %rem3A_573 = arith.remsi %sub3A_541, %select_n3A_572 : i32
        %ne3A_574 = arith.constant 0 : i32
        %ne3A_575 = arith.cmpi ne, %rem3A_573, %ne3A_574 : i32
        %lt3A_576 = arith.constant 0 : i32
        %lt3A_577 = arith.cmpi slt, %rem3A_573, %lt3A_576 : i32
        %lt3A_578 = arith.constant 0 : i32
        %lt3A_579 = arith.cmpi slt, %select_n3A_572, %lt3A_578 : i32
        %ne3A_580 = arith.xori %lt3A_577, %lt3A_579 : i1
        %and3A_581 = arith.andi %ne3A_580, %ne3A_575 : i1
        %add3A_582 = arith.addi %rem3A_573, %select_n3A_572 : i32
        %select_n3A_583 = arith.select %and3A_581, %add3A_582, %rem3A_573 : i32
        %add3A_584 = arith.addi %mul3A_567, %select_n3A_583 : i32
        %mul3A_585 = arith.constant 4096 : i32
        %mul3A_586 = arith.muli %select_n3A_565, %mul3A_585 : i32
        %mul3A_587 = arith.constant 8 : i32
        %mul3A_588 = arith.muli %add3A_584, %mul3A_587 : i32
        %add3A_589 = arith.addi %mul3A_586, %mul3A_588 : i32
        %add3A_590 = arith.constant 0 : i32
        %add3A_591 = arith.addi %add3A_589, %add3A_590 : i32
        %add3A_592 = arith.constant 1024 : i32
        %add3A_593 = arith.addi %add3A_589, %add3A_592 : i32
        %add3A_594 = arith.constant 2048 : i32
        %add3A_595 = arith.addi %add3A_589, %add3A_594 : i32
        %add3A_596 = arith.constant 3072 : i32
        %add3A_597 = arith.addi %add3A_589, %add3A_596 : i32
        %dma_wait3A_598 = arith.constant 0 : i32
        %dma_wait3A_599 = arith.constant 0 : i32
        %dma_wait3A_600 = tpu.memref_slice %arg9[%dma_wait3A_598, %dma_wait3A_599] : memref<32x128xf32, #tpu.memory_space<vmem>> -> memref<8x128xf32, #tpu.memory_space<vmem>>
        %dma_wait3A_601 = arith.constant 0 : i32
        %dma_wait3A_602 = tpu.memref_slice %arg4[%add3A_591, %dma_wait3A_601] : memref<106496x128xf32, #tpu.memory_space<hbm>> -> memref<8x128xf32, #tpu.memory_space<hbm>>
        %dma_wait3A_603 = arith.constant 0 : i32
        %dma_wait3A_604 = tpu.memref_slice %arg4[%add3A_591, %dma_wait3A_603] : memref<106496x128xf32, #tpu.memory_space<hbm>> -> memref<8x128xf32, #tpu.memory_space<hbm>>
        %dma_wait3A_605 = arith.constant 0 : i32
        %dma_wait3A_606 = arith.constant 0 : i32
        %dma_wait3A_607 = tpu.memref_slice %arg9[%dma_wait3A_605, %dma_wait3A_606] : memref<32x128xf32, #tpu.memory_space<vmem>> -> memref<8x128xf32, #tpu.memory_space<vmem>>
        tpu.wait_dma2 semaphore(%arg11 : memref<!tpu.dma_semaphore, #tpu.memory_space<semaphore_mem>>) src(%dma_wait3A_607 : memref<8x128xf32, #tpu.memory_space<vmem>>) dst(%dma_wait3A_604 : memref<8x128xf32, #tpu.memory_space<hbm>>)
        %dma_wait3A_608 = arith.constant 8 : i32
        %dma_wait3A_609 = arith.constant 0 : i32
        %dma_wait3A_610 = tpu.memref_slice %arg9[%dma_wait3A_608, %dma_wait3A_609] : memref<32x128xf32, #tpu.memory_space<vmem>> -> memref<8x128xf32, #tpu.memory_space<vmem>>
        %dma_wait3A_611 = arith.constant 0 : i32
        %dma_wait3A_612 = tpu.memref_slice %arg4[%add3A_593, %dma_wait3A_611] : memref<106496x128xf32, #tpu.memory_space<hbm>> -> memref<8x128xf32, #tpu.memory_space<hbm>>
        %dma_wait3A_613 = arith.constant 0 : i32
        %dma_wait3A_614 = tpu.memref_slice %arg4[%add3A_593, %dma_wait3A_613] : memref<106496x128xf32, #tpu.memory_space<hbm>> -> memref<8x128xf32, #tpu.memory_space<hbm>>
        %dma_wait3A_615 = arith.constant 8 : i32
        %dma_wait3A_616 = arith.constant 0 : i32
        %dma_wait3A_617 = tpu.memref_slice %arg9[%dma_wait3A_615, %dma_wait3A_616] : memref<32x128xf32, #tpu.memory_space<vmem>> -> memref<8x128xf32, #tpu.memory_space<vmem>>
        tpu.wait_dma2 semaphore(%arg11 : memref<!tpu.dma_semaphore, #tpu.memory_space<semaphore_mem>>) src(%dma_wait3A_617 : memref<8x128xf32, #tpu.memory_space<vmem>>) dst(%dma_wait3A_614 : memref<8x128xf32, #tpu.memory_space<hbm>>)
        %dma_wait3A_618 = arith.constant 16 : i32
        %dma_wait3A_619 = arith.constant 0 : i32
        %dma_wait3A_620 = tpu.memref_slice %arg9[%dma_wait3A_618, %dma_wait3A_619] : memref<32x128xf32, #tpu.memory_space<vmem>> -> memref<8x128xf32, #tpu.memory_space<vmem>>
        %dma_wait3A_621 = arith.constant 0 : i32
        %dma_wait3A_622 = tpu.memref_slice %arg4[%add3A_595, %dma_wait3A_621] : memref<106496x128xf32, #tpu.memory_space<hbm>> -> memref<8x128xf32, #tpu.memory_space<hbm>>
        %dma_wait3A_623 = arith.constant 0 : i32
        %dma_wait3A_624 = tpu.memref_slice %arg4[%add3A_595, %dma_wait3A_623] : memref<106496x128xf32, #tpu.memory_space<hbm>> -> memref<8x128xf32, #tpu.memory_space<hbm>>
        %dma_wait3A_625 = arith.constant 16 : i32
        %dma_wait3A_626 = arith.constant 0 : i32
        %dma_wait3A_627 = tpu.memref_slice %arg9[%dma_wait3A_625, %dma_wait3A_626] : memref<32x128xf32, #tpu.memory_space<vmem>> -> memref<8x128xf32, #tpu.memory_space<vmem>>
        tpu.wait_dma2 semaphore(%arg11 : memref<!tpu.dma_semaphore, #tpu.memory_space<semaphore_mem>>) src(%dma_wait3A_627 : memref<8x128xf32, #tpu.memory_space<vmem>>) dst(%dma_wait3A_624 : memref<8x128xf32, #tpu.memory_space<hbm>>)
        %dma_wait3A_628 = arith.constant 24 : i32
        %dma_wait3A_629 = arith.constant 0 : i32
        %dma_wait3A_630 = tpu.memref_slice %arg9[%dma_wait3A_628, %dma_wait3A_629] : memref<32x128xf32, #tpu.memory_space<vmem>> -> memref<8x128xf32, #tpu.memory_space<vmem>>
        %dma_wait3A_631 = arith.constant 0 : i32
        %dma_wait3A_632 = tpu.memref_slice %arg4[%add3A_597, %dma_wait3A_631] : memref<106496x128xf32, #tpu.memory_space<hbm>> -> memref<8x128xf32, #tpu.memory_space<hbm>>
        %dma_wait3A_633 = arith.constant 0 : i32
        %dma_wait3A_634 = tpu.memref_slice %arg4[%add3A_597, %dma_wait3A_633] : memref<106496x128xf32, #tpu.memory_space<hbm>> -> memref<8x128xf32, #tpu.memory_space<hbm>>
        %dma_wait3A_635 = arith.constant 24 : i32
        %dma_wait3A_636 = arith.constant 0 : i32
        %dma_wait3A_637 = tpu.memref_slice %arg9[%dma_wait3A_635, %dma_wait3A_636] : memref<32x128xf32, #tpu.memory_space<vmem>> -> memref<8x128xf32, #tpu.memory_space<vmem>>
        tpu.wait_dma2 semaphore(%arg11 : memref<!tpu.dma_semaphore, #tpu.memory_space<semaphore_mem>>) src(%dma_wait3A_637 : memref<8x128xf32, #tpu.memory_space<vmem>>) dst(%dma_wait3A_634 : memref<8x128xf32, #tpu.memory_space<hbm>>)
      } else {
      }
      %parallel_loop3A_441 = arith.constant 0 : i32
      %parallel_loop3A_442 = arith.constant 32 : i32
      %parallel_loop3A_443 = arith.constant 1 : i32
      scf.for %parallel_loop3A_540 = %parallel_loop3A_441 to %parallel_loop3A_442 step %parallel_loop3A_443  : i32 {
        %parallel_loop3A_541 = arith.constant 0 : i32
        %parallel_loop3A_542 = vector.broadcast %parallel_loop3A_541 : i32 to vector<16xi32>
        %parallel_loop3A_543 = vector.broadcast %parallel_loop3A_540 : i32 to vector<16xi32>
        %parallel_loop3A_544 = arith.addi %parallel_loop3A_542, %parallel_loop3A_543 : vector<16xi32>
        %parallel_loop3A_545 = tpu.vector_load_idx %arg7[%add3A_5, %parallel_loop3A_544] : memref<128x32xf32, #tpu.memory_space<vmem>>[vector<16xi32>, vector<16xi32>], vector<16xf32>,
        %parallel_loop3A_546 = arith.index_cast %parallel_loop3A_540 : i32 to index
        %parallel_loop3A_547 = arith.constant 0 : index
        %parallel_loop3A_548 = tpu.vector_load %arg9[%parallel_loop3A_546, %parallel_loop3A_547] {strides = array<i32>} : memref<32x128xf32, #tpu.memory_space<vmem>>, vector<16xf32>,
        tpu.vector_store %arg9[%parallel_loop3A_546, %parallel_loop3A_547], %parallel_loop3A_545 {strides = array<i32>} : memref<32x128xf32, #tpu.memory_space<vmem>>, vector<16xf32>,
        %parallel_loop3A_549 = tpu.vector_load_idx %arg7[%add3A_8, %parallel_loop3A_544] : memref<128x32xf32, #tpu.memory_space<vmem>>[vector<16xi32>, vector<16xi32>], vector<16xf32>,
        %parallel_loop3A_550 = arith.index_cast %parallel_loop3A_540 : i32 to index
        %parallel_loop3A_551 = arith.constant 16 : index
        %parallel_loop3A_552 = tpu.vector_load %arg9[%parallel_loop3A_550, %parallel_loop3A_551] {strides = array<i32>} : memref<32x128xf32, #tpu.memory_space<vmem>>, vector<16xf32>,
        tpu.vector_store %arg9[%parallel_loop3A_550, %parallel_loop3A_551], %parallel_loop3A_549 {strides = array<i32>} : memref<32x128xf32, #tpu.memory_space<vmem>>, vector<16xf32>,
        %parallel_loop3A_553 = tpu.vector_load_idx %arg7[%add3A_11, %parallel_loop3A_544] : memref<128x32xf32, #tpu.memory_space<vmem>>[vector<16xi32>, vector<16xi32>], vector<16xf32>,
        %parallel_loop3A_554 = arith.index_cast %parallel_loop3A_540 : i32 to index
        %parallel_loop3A_555 = arith.constant 32 : index
        %parallel_loop3A_556 = tpu.vector_load %arg9[%parallel_loop3A_554, %parallel_loop3A_555] {strides = array<i32>} : memref<32x128xf32, #tpu.memory_space<vmem>>, vector<16xf32>,
        tpu.vector_store %arg9[%parallel_loop3A_554, %parallel_loop3A_555], %parallel_loop3A_553 {strides = array<i32>} : memref<32x128xf32, #tpu.memory_space<vmem>>, vector<16xf32>,
        %parallel_loop3A_557 = tpu.vector_load_idx %arg7[%add3A_14, %parallel_loop3A_544] : memref<128x32xf32, #tpu.memory_space<vmem>>[vector<16xi32>, vector<16xi32>], vector<16xf32>,
        %parallel_loop3A_558 = arith.index_cast %parallel_loop3A_540 : i32 to index
        %parallel_loop3A_559 = arith.constant 48 : index
        %parallel_loop3A_560 = tpu.vector_load %arg9[%parallel_loop3A_558, %parallel_loop3A_559] {strides = array<i32>} : memref<32x128xf32, #tpu.memory_space<vmem>>, vector<16xf32>,
        tpu.vector_store %arg9[%parallel_loop3A_558, %parallel_loop3A_559], %parallel_loop3A_557 {strides = array<i32>} : memref<32x128xf32, #tpu.memory_space<vmem>>, vector<16xf32>,
        %parallel_loop3A_561 = tpu.vector_load_idx %arg7[%add3A_17, %parallel_loop3A_544] : memref<128x32xf32, #tpu.memory_space<vmem>>[vector<16xi32>, vector<16xi32>], vector<16xf32>,
        %parallel_loop3A_562 = arith.index_cast %parallel_loop3A_540 : i32 to index
        %parallel_loop3A_563 = arith.constant 64 : index
        %parallel_loop3A_564 = tpu.vector_load %arg9[%parallel_loop3A_562, %parallel_loop3A_563] {strides = array<i32>} : memref<32x128xf32, #tpu.memory_space<vmem>>, vector<16xf32>,
        tpu.vector_store %arg9[%parallel_loop3A_562, %parallel_loop3A_563], %parallel_loop3A_561 {strides = array<i32>} : memref<32x128xf32, #tpu.memory_space<vmem>>, vector<16xf32>,
        %parallel_loop3A_565 = tpu.vector_load_idx %arg7[%add3A_20, %parallel_loop3A_544] : memref<128x32xf32, #tpu.memory_space<vmem>>[vector<16xi32>, vector<16xi32>], vector<16xf32>,
        %parallel_loop3A_566 = arith.index_cast %parallel_loop3A_540 : i32 to index
        %parallel_loop3A_567 = arith.constant 80 : index
        %parallel_loop3A_568 = tpu.vector_load %arg9[%parallel_loop3A_566, %parallel_loop3A_567] {strides = array<i32>} : memref<32x128xf32, #tpu.memory_space<vmem>>, vector<16xf32>,
        tpu.vector_store %arg9[%parallel_loop3A_566, %parallel_loop3A_567], %parallel_loop3A_565 {strides = array<i32>} : memref<32x128xf32, #tpu.memory_space<vmem>>, vector<16xf32>,
        %parallel_loop3A_569 = tpu.vector_load_idx %arg7[%add3A_23, %parallel_loop3A_544] : memref<128x32xf32, #tpu.memory_space<vmem>>[vector<16xi32>, vector<16xi32>], vector<16xf32>,
        %parallel_loop3A_570 = arith.index_cast %parallel_loop3A_540 : i32 to index
        %parallel_loop3A_571 = arith.constant 96 : index
        %parallel_loop3A_572 = tpu.vector_load %arg9[%parallel_loop3A_570, %parallel_loop3A_571] {strides = array<i32>} : memref<32x128xf32, #tpu.memory_space<vmem>>, vector<16xf32>,
        tpu.vector_store %arg9[%parallel_loop3A_570, %parallel_loop3A_571], %parallel_loop3A_569 {strides = array<i32>} : memref<32x128xf32, #tpu.memory_space<vmem>>, vector<16xf32>,
        %parallel_loop3A_573 = tpu.vector_load_idx %arg7[%add3A_26, %parallel_loop3A_544] : memref<128x32xf32, #tpu.memory_space<vmem>>[vector<16xi32>, vector<16xi32>], vector<16xf32>,
        %parallel_loop3A_574 = arith.index_cast %parallel_loop3A_540 : i32 to index
        %parallel_loop3A_575 = arith.constant 112 : index
        %parallel_loop3A_576 = tpu.vector_load %arg9[%parallel_loop3A_574, %parallel_loop3A_575] {strides = array<i32>} : memref<32x128xf32, #tpu.memory_space<vmem>>, vector<16xf32>,
        tpu.vector_store %arg9[%parallel_loop3A_574, %parallel_loop3A_575], %parallel_loop3A_573 {strides = array<i32>} : memref<32x128xf32, #tpu.memory_space<vmem>>, vector<16xf32>,
      } {sc.loop_unroll_factor = 4 : i64, sc.parallel_access}
      %jit3A_444 = arith.constant 4 : i32
      %div3A_445 = arith.divsi %add3A_342, %jit3A_444 : i32
      %sign3A_446 = arith.constant 0 : i32
      %sign3A_447 = arith.cmpi sgt, %add3A_342, %sign3A_446 : i32
      %sign3A_448 = arith.extui %sign3A_447 : i1 to i32
      %sign3A_449 = arith.constant 0 : i32
      %sign3A_450 = arith.cmpi slt, %add3A_342, %sign3A_449 : i32
      %sign3A_451 = arith.extui %sign3A_450 : i1 to i32
      %sign3A_452 = arith.subi %sign3A_448, %sign3A_451 : i32
      %sign3A_453 = arith.constant 0 : i32
      %sign3A_454 = arith.cmpi sgt, %jit3A_444, %sign3A_453 : i32
      %sign3A_455 = arith.extui %sign3A_454 : i1 to i32
      %sign3A_456 = arith.constant 0 : i32
      %sign3A_457 = arith.cmpi slt, %jit3A_444, %sign3A_456 : i32
      %sign3A_458 = arith.extui %sign3A_457 : i1 to i32
      %sign3A_459 = arith.subi %sign3A_455, %sign3A_458 : i32
      %ne3A_460 = arith.cmpi ne, %sign3A_452, %sign3A_459 : i32
      %rem3A_461 = arith.remsi %add3A_342, %jit3A_444 : i32
      %ne3A_462 = arith.constant 0 : i32
      %ne3A_463 = arith.cmpi ne, %rem3A_461, %ne3A_462 : i32
      %and3A_464 = arith.andi %ne3A_460, %ne3A_463 : i1
      %sub3A_465 = arith.constant 1 : i32
      %sub3A_466 = arith.subi %div3A_445, %sub3A_465 : i32
      %select_n3A_467 = arith.select %and3A_464, %sub3A_466, %div3A_445 : i32
      %mul3A_468 = arith.constant 4 : i32
      %mul3A_469 = arith.muli %add3A, %mul3A_468 : i32
      %jit3A_470 = arith.constant 4 : i32
      %eq3A_471 = arith.constant 0 : i32
      %eq3A_472 = arith.cmpi eq, %jit3A_470, %eq3A_471 : i32
      %jit3A_473 = arith.constant 1 : i32
      %select_n3A_474 = arith.select %eq3A_472, %jit3A_473, %jit3A_470 : i32
      %rem3A_475 = arith.remsi %add3A_342, %select_n3A_474 : i32
      %ne3A_476 = arith.constant 0 : i32
      %ne3A_477 = arith.cmpi ne, %rem3A_475, %ne3A_476 : i32
      %lt3A_478 = arith.constant 0 : i32
      %lt3A_479 = arith.cmpi slt, %rem3A_475, %lt3A_478 : i32
      %lt3A_480 = arith.constant 0 : i32
      %lt3A_481 = arith.cmpi slt, %select_n3A_474, %lt3A_480 : i32
      %ne3A_482 = arith.xori %lt3A_479, %lt3A_481 : i1
      %and3A_483 = arith.andi %ne3A_482, %ne3A_477 : i1
      %add3A_484 = arith.addi %rem3A_475, %select_n3A_474 : i32
      %select_n3A_485 = arith.select %and3A_483, %add3A_484, %rem3A_475 : i32
      %add3A_486 = arith.addi %mul3A_469, %select_n3A_485 : i32
      %mul3A_487 = arith.constant 4096 : i32
      %mul3A_488 = arith.muli %select_n3A_467, %mul3A_487 : i32
      %mul3A_489 = arith.constant 8 : i32
      %mul3A_490 = arith.muli %add3A_486, %mul3A_489 : i32
      %add3A_491 = arith.addi %mul3A_488, %mul3A_490 : i32
      %add3A_492 = arith.constant 0 : i32
      %add3A_493 = arith.addi %add3A_491, %add3A_492 : i32
      %add3A_494 = arith.constant 1024 : i32
      %add3A_495 = arith.addi %add3A_491, %add3A_494 : i32
      %add3A_496 = arith.constant 2048 : i32
      %add3A_497 = arith.addi %add3A_491, %add3A_496 : i32
      %add3A_498 = arith.constant 3072 : i32
      %add3A_499 = arith.addi %add3A_491, %add3A_498 : i32
      %dma_start3A_500 = arith.constant 0 : i32
      %dma_start3A_501 = arith.constant 0 : i32
      %dma_start3A_502 = tpu.memref_slice %arg9[%dma_start3A_500, %dma_start3A_501] : memref<32x128xf32, #tpu.memory_space<vmem>> -> memref<8x128xf32, #tpu.memory_space<vmem>>
      %dma_start3A_503 = arith.constant 0 : i32
      %dma_start3A_504 = tpu.memref_slice %arg4[%add3A_493, %dma_start3A_503] : memref<106496x128xf32, #tpu.memory_space<hbm>> -> memref<8x128xf32, #tpu.memory_space<hbm>>
      %dma_start3A_505 = arith.constant 0 : i32
      %dma_start3A_506 = tpu.memref_slice %arg4[%add3A_493, %dma_start3A_505] : memref<106496x128xf32, #tpu.memory_space<hbm>> -> memref<8x128xf32, #tpu.memory_space<hbm>>
      %dma_start3A_507 = arith.constant 0 : i32
      %dma_start3A_508 = arith.constant 0 : i32
      %dma_start3A_509 = tpu.memref_slice %arg9[%dma_start3A_507, %dma_start3A_508] : memref<32x128xf32, #tpu.memory_space<vmem>> -> memref<8x128xf32, #tpu.memory_space<vmem>>
      tpu.enqueue_dma source(%dma_start3A_509 : memref<8x128xf32, #tpu.memory_space<vmem>>) target(%dma_start3A_506 : memref<8x128xf32, #tpu.memory_space<hbm>>) target_semaphore(%arg11 : memref<!tpu.dma_semaphore, #tpu.memory_space<semaphore_mem>>)
      %dma_start3A_510 = arith.constant 8 : i32
      %dma_start3A_511 = arith.constant 0 : i32
      %dma_start3A_512 = tpu.memref_slice %arg9[%dma_start3A_510, %dma_start3A_511] : memref<32x128xf32, #tpu.memory_space<vmem>> -> memref<8x128xf32, #tpu.memory_space<vmem>>
      %dma_start3A_513 = arith.constant 0 : i32
      %dma_start3A_514 = tpu.memref_slice %arg4[%add3A_495, %dma_start3A_513] : memref<106496x128xf32, #tpu.memory_space<hbm>> -> memref<8x128xf32, #tpu.memory_space<hbm>>
      %dma_start3A_515 = arith.constant 0 : i32
      %dma_start3A_516 = tpu.memref_slice %arg4[%add3A_495, %dma_start3A_515] : memref<106496x128xf32, #tpu.memory_space<hbm>> -> memref<8x128xf32, #tpu.memory_space<hbm>>
      %dma_start3A_517 = arith.constant 8 : i32
      %dma_start3A_518 = arith.constant 0 : i32
      %dma_start3A_519 = tpu.memref_slice %arg9[%dma_start3A_517, %dma_start3A_518] : memref<32x128xf32, #tpu.memory_space<vmem>> -> memref<8x128xf32, #tpu.memory_space<vmem>>
      tpu.enqueue_dma source(%dma_start3A_519 : memref<8x128xf32, #tpu.memory_space<vmem>>) target(%dma_start3A_516 : memref<8x128xf32, #tpu.memory_space<hbm>>) target_semaphore(%arg11 : memref<!tpu.dma_semaphore, #tpu.memory_space<semaphore_mem>>)
      %dma_start3A_520 = arith.constant 16 : i32
      %dma_start3A_521 = arith.constant 0 : i32
      %dma_start3A_522 = tpu.memref_slice %arg9[%dma_start3A_520, %dma_start3A_521] : memref<32x128xf32, #tpu.memory_space<vmem>> -> memref<8x128xf32, #tpu.memory_space<vmem>>
      %dma_start3A_523 = arith.constant 0 : i32
      %dma_start3A_524 = tpu.memref_slice %arg4[%add3A_497, %dma_start3A_523] : memref<106496x128xf32, #tpu.memory_space<hbm>> -> memref<8x128xf32, #tpu.memory_space<hbm>>
      %dma_start3A_525 = arith.constant 0 : i32
      %dma_start3A_526 = tpu.memref_slice %arg4[%add3A_497, %dma_start3A_525] : memref<106496x128xf32, #tpu.memory_space<hbm>> -> memref<8x128xf32, #tpu.memory_space<hbm>>
      %dma_start3A_527 = arith.constant 16 : i32
      %dma_start3A_528 = arith.constant 0 : i32
      %dma_start3A_529 = tpu.memref_slice %arg9[%dma_start3A_527, %dma_start3A_528] : memref<32x128xf32, #tpu.memory_space<vmem>> -> memref<8x128xf32, #tpu.memory_space<vmem>>
      tpu.enqueue_dma source(%dma_start3A_529 : memref<8x128xf32, #tpu.memory_space<vmem>>) target(%dma_start3A_526 : memref<8x128xf32, #tpu.memory_space<hbm>>) target_semaphore(%arg11 : memref<!tpu.dma_semaphore, #tpu.memory_space<semaphore_mem>>)
      %dma_start3A_530 = arith.constant 24 : i32
      %dma_start3A_531 = arith.constant 0 : i32
      %dma_start3A_532 = tpu.memref_slice %arg9[%dma_start3A_530, %dma_start3A_531] : memref<32x128xf32, #tpu.memory_space<vmem>> -> memref<8x128xf32, #tpu.memory_space<vmem>>
      %dma_start3A_533 = arith.constant 0 : i32
      %dma_start3A_534 = tpu.memref_slice %arg4[%add3A_499, %dma_start3A_533] : memref<106496x128xf32, #tpu.memory_space<hbm>> -> memref<8x128xf32, #tpu.memory_space<hbm>>
      %dma_start3A_535 = arith.constant 0 : i32
      %dma_start3A_536 = tpu.memref_slice %arg4[%add3A_499, %dma_start3A_535] : memref<106496x128xf32, #tpu.memory_space<hbm>> -> memref<8x128xf32, #tpu.memory_space<hbm>>
      %dma_start3A_537 = arith.constant 24 : i32
      %dma_start3A_538 = arith.constant 0 : i32
      %dma_start3A_539 = tpu.memref_slice %arg9[%dma_start3A_537, %dma_start3A_538] : memref<32x128xf32, #tpu.memory_space<vmem>> -> memref<8x128xf32, #tpu.memory_space<vmem>>
      tpu.enqueue_dma source(%dma_start3A_539 : memref<8x128xf32, #tpu.memory_space<vmem>>) target(%dma_start3A_536 : memref<8x128xf32, #tpu.memory_space<hbm>>) target_semaphore(%arg11 : memref<!tpu.dma_semaphore, #tpu.memory_space<semaphore_mem>>)
    }
    %scan3A_39 = arith.constant 52 : i32
    %mul3A_40 = arith.constant 4 : i32
    %mul3A_41 = arith.muli %add3A, %mul3A_40 : i32
    %add3A_42 = arith.constant 2 : i32
    %add3A_43 = arith.addi %mul3A_41, %add3A_42 : i32
    %mul3A_44 = arith.constant 8 : i32
    %mul3A_45 = arith.muli %add3A_43, %mul3A_44 : i32
    %add3A_46 = arith.constant 102400 : i32
    %add3A_47 = arith.addi %add3A_46, %mul3A_45 : i32
    %add3A_48 = arith.constant 0 : i32
    %add3A_49 = arith.addi %add3A_47, %add3A_48 : i32
    %add3A_50 = arith.constant 1024 : i32
    %add3A_51 = arith.addi %add3A_47, %add3A_50 : i32
    %add3A_52 = arith.constant 2048 : i32
    %add3A_53 = arith.addi %add3A_47, %add3A_52 : i32
    %add3A_54 = arith.constant 3072 : i32
    %add3A_55 = arith.addi %add3A_47, %add3A_54 : i32
    %dma_wait3A = arith.constant 0 : i32
    %dma_wait3A_56 = arith.constant 0 : i32
    %dma_wait3A_57 = tpu.memref_slice %arg8[%dma_wait3A, %dma_wait3A_56] : memref<32x128xf32, #tpu.memory_space<vmem>> -> memref<8x128xf32, #tpu.memory_space<vmem>>
    %dma_wait3A_58 = arith.constant 0 : i32
    %dma_wait3A_59 = tpu.memref_slice %arg4[%add3A_49, %dma_wait3A_58] : memref<106496x128xf32, #tpu.memory_space<hbm>> -> memref<8x128xf32, #tpu.memory_space<hbm>>
    %dma_wait3A_60 = arith.constant 0 : i32
    %dma_wait3A_61 = tpu.memref_slice %arg4[%add3A_49, %dma_wait3A_60] : memref<106496x128xf32, #tpu.memory_space<hbm>> -> memref<8x128xf32, #tpu.memory_space<hbm>>
    %dma_wait3A_62 = arith.constant 0 : i32
    %dma_wait3A_63 = arith.constant 0 : i32
    %dma_wait3A_64 = tpu.memref_slice %arg8[%dma_wait3A_62, %dma_wait3A_63] : memref<32x128xf32, #tpu.memory_space<vmem>> -> memref<8x128xf32, #tpu.memory_space<vmem>>
    tpu.wait_dma2 semaphore(%arg11 : memref<!tpu.dma_semaphore, #tpu.memory_space<semaphore_mem>>) src(%dma_wait3A_64 : memref<8x128xf32, #tpu.memory_space<vmem>>) dst(%dma_wait3A_61 : memref<8x128xf32, #tpu.memory_space<hbm>>)
    %dma_wait3A_65 = arith.constant 8 : i32
    %dma_wait3A_66 = arith.constant 0 : i32
    %dma_wait3A_67 = tpu.memref_slice %arg8[%dma_wait3A_65, %dma_wait3A_66] : memref<32x128xf32, #tpu.memory_space<vmem>> -> memref<8x128xf32, #tpu.memory_space<vmem>>
    %dma_wait3A_68 = arith.constant 0 : i32
    %dma_wait3A_69 = tpu.memref_slice %arg4[%add3A_51, %dma_wait3A_68] : memref<106496x128xf32, #tpu.memory_space<hbm>> -> memref<8x128xf32, #tpu.memory_space<hbm>>
    %dma_wait3A_70 = arith.constant 0 : i32
    %dma_wait3A_71 = tpu.memref_slice %arg4[%add3A_51, %dma_wait3A_70] : memref<106496x128xf32, #tpu.memory_space<hbm>> -> memref<8x128xf32, #tpu.memory_space<hbm>>
    %dma_wait3A_72 = arith.constant 8 : i32
    %dma_wait3A_73 = arith.constant 0 : i32
    %dma_wait3A_74 = tpu.memref_slice %arg8[%dma_wait3A_72, %dma_wait3A_73] : memref<32x128xf32, #tpu.memory_space<vmem>> -> memref<8x128xf32, #tpu.memory_space<vmem>>
    tpu.wait_dma2 semaphore(%arg11 : memref<!tpu.dma_semaphore, #tpu.memory_space<semaphore_mem>>) src(%dma_wait3A_74 : memref<8x128xf32, #tpu.memory_space<vmem>>) dst(%dma_wait3A_71 : memref<8x128xf32, #tpu.memory_space<hbm>>)
    %dma_wait3A_75 = arith.constant 16 : i32
    %dma_wait3A_76 = arith.constant 0 : i32
    %dma_wait3A_77 = tpu.memref_slice %arg8[%dma_wait3A_75, %dma_wait3A_76] : memref<32x128xf32, #tpu.memory_space<vmem>> -> memref<8x128xf32, #tpu.memory_space<vmem>>
    %dma_wait3A_78 = arith.constant 0 : i32
    %dma_wait3A_79 = tpu.memref_slice %arg4[%add3A_53, %dma_wait3A_78] : memref<106496x128xf32, #tpu.memory_space<hbm>> -> memref<8x128xf32, #tpu.memory_space<hbm>>
    %dma_wait3A_80 = arith.constant 0 : i32
    %dma_wait3A_81 = tpu.memref_slice %arg4[%add3A_53, %dma_wait3A_80] : memref<106496x128xf32, #tpu.memory_space<hbm>> -> memref<8x128xf32, #tpu.memory_space<hbm>>
    %dma_wait3A_82 = arith.constant 16 : i32
    %dma_wait3A_83 = arith.constant 0 : i32
    %dma_wait3A_84 = tpu.memref_slice %arg8[%dma_wait3A_82, %dma_wait3A_83] : memref<32x128xf32, #tpu.memory_space<vmem>> -> memref<8x128xf32, #tpu.memory_space<vmem>>
    tpu.wait_dma2 semaphore(%arg11 : memref<!tpu.dma_semaphore, #tpu.memory_space<semaphore_mem>>) src(%dma_wait3A_84 : memref<8x128xf32, #tpu.memory_space<vmem>>) dst(%dma_wait3A_81 : memref<8x128xf32, #tpu.memory_space<hbm>>)
    %dma_wait3A_85 = arith.constant 24 : i32
    %dma_wait3A_86 = arith.constant 0 : i32
    %dma_wait3A_87 = tpu.memref_slice %arg8[%dma_wait3A_85, %dma_wait3A_86] : memref<32x128xf32, #tpu.memory_space<vmem>> -> memref<8x128xf32, #tpu.memory_space<vmem>>
    %dma_wait3A_88 = arith.constant 0 : i32
    %dma_wait3A_89 = tpu.memref_slice %arg4[%add3A_55, %dma_wait3A_88] : memref<106496x128xf32, #tpu.memory_space<hbm>> -> memref<8x128xf32, #tpu.memory_space<hbm>>
    %dma_wait3A_90 = arith.constant 0 : i32
    %dma_wait3A_91 = tpu.memref_slice %arg4[%add3A_55, %dma_wait3A_90] : memref<106496x128xf32, #tpu.memory_space<hbm>> -> memref<8x128xf32, #tpu.memory_space<hbm>>
    %dma_wait3A_92 = arith.constant 24 : i32
    %dma_wait3A_93 = arith.constant 0 : i32
    %dma_wait3A_94 = tpu.memref_slice %arg8[%dma_wait3A_92, %dma_wait3A_93] : memref<32x128xf32, #tpu.memory_space<vmem>> -> memref<8x128xf32, #tpu.memory_space<vmem>>
    tpu.wait_dma2 semaphore(%arg11 : memref<!tpu.dma_semaphore, #tpu.memory_space<semaphore_mem>>) src(%dma_wait3A_94 : memref<8x128xf32, #tpu.memory_space<vmem>>) dst(%dma_wait3A_91 : memref<8x128xf32, #tpu.memory_space<hbm>>)
    %mul3A_95 = arith.constant 4 : i32
    %mul3A_96 = arith.muli %add3A, %mul3A_95 : i32
    %add3A_97 = arith.constant 3 : i32
    %add3A_98 = arith.addi %mul3A_96, %add3A_97 : i32
    %mul3A_99 = arith.constant 8 : i32
    %mul3A_100 = arith.muli %add3A_98, %mul3A_99 : i32
    %add3A_101 = arith.constant 102400 : i32
    %add3A_102 = arith.addi %add3A_101, %mul3A_100 : i32
    %add3A_103 = arith.constant 0 : i32
    %add3A_104 = arith.addi %add3A_102, %add3A_103 : i32
    %add3A_105 = arith.constant 1024 : i32
    %add3A_106 = arith.addi %add3A_102, %add3A_105 : i32
    %add3A_107 = arith.constant 2048 : i32
    %add3A_108 = arith.addi %add3A_102, %add3A_107 : i32
    %add3A_109 = arith.constant 3072 : i32
    %add3A_110 = arith.addi %add3A_102, %add3A_109 : i32
    %dma_wait3A_111 = arith.constant 0 : i32
    %dma_wait3A_112 = arith.constant 0 : i32
    %dma_wait3A_113 = tpu.memref_slice %arg9[%dma_wait3A_111, %dma_wait3A_112] : memref<32x128xf32, #tpu.memory_space<vmem>> -> memref<8x128xf32, #tpu.memory_space<vmem>>
    %dma_wait3A_114 = arith.constant 0 : i32
    %dma_wait3A_115 = tpu.memref_slice %arg4[%add3A_104, %dma_wait3A_114] : memref<106496x128xf32, #tpu.memory_space<hbm>> -> memref<8x128xf32, #tpu.memory_space<hbm>>
    %dma_wait3A_116 = arith.constant 0 : i32
    %dma_wait3A_117 = tpu.memref_slice %arg4[%add3A_104, %dma_wait3A_116] : memref<106496x128xf32, #tpu.memory_space<hbm>> -> memref<8x128xf32, #tpu.memory_space<hbm>>
    %dma_wait3A_118 = arith.constant 0 : i32
    %dma_wait3A_119 = arith.constant 0 : i32
    %dma_wait3A_120 = tpu.memref_slice %arg9[%dma_wait3A_118, %dma_wait3A_119] : memref<32x128xf32, #tpu.memory_space<vmem>> -> memref<8x128xf32, #tpu.memory_space<vmem>>
    tpu.wait_dma2 semaphore(%arg11 : memref<!tpu.dma_semaphore, #tpu.memory_space<semaphore_mem>>) src(%dma_wait3A_120 : memref<8x128xf32, #tpu.memory_space<vmem>>) dst(%dma_wait3A_117 : memref<8x128xf32, #tpu.memory_space<hbm>>)
    %dma_wait3A_121 = arith.constant 8 : i32
    %dma_wait3A_122 = arith.constant 0 : i32
    %dma_wait3A_123 = tpu.memref_slice %arg9[%dma_wait3A_121, %dma_wait3A_122] : memref<32x128xf32, #tpu.memory_space<vmem>> -> memref<8x128xf32, #tpu.memory_space<vmem>>
    %dma_wait3A_124 = arith.constant 0 : i32
    %dma_wait3A_125 = tpu.memref_slice %arg4[%add3A_106, %dma_wait3A_124] : memref<106496x128xf32, #tpu.memory_space<hbm>> -> memref<8x128xf32, #tpu.memory_space<hbm>>
    %dma_wait3A_126 = arith.constant 0 : i32
    %dma_wait3A_127 = tpu.memref_slice %arg4[%add3A_106, %dma_wait3A_126] : memref<106496x128xf32, #tpu.memory_space<hbm>> -> memref<8x128xf32, #tpu.memory_space<hbm>>
    %dma_wait3A_128 = arith.constant 8 : i32
    %dma_wait3A_129 = arith.constant 0 : i32
    %dma_wait3A_130 = tpu.memref_slice %arg9[%dma_wait3A_128, %dma_wait3A_129] : memref<32x128xf32, #tpu.memory_space<vmem>> -> memref<8x128xf32, #tpu.memory_space<vmem>>
    tpu.wait_dma2 semaphore(%arg11 : memref<!tpu.dma_semaphore, #tpu.memory_space<semaphore_mem>>) src(%dma_wait3A_130 : memref<8x128xf32, #tpu.memory_space<vmem>>) dst(%dma_wait3A_127 : memref<8x128xf32, #tpu.memory_space<hbm>>)
    %dma_wait3A_131 = arith.constant 16 : i32
    %dma_wait3A_132 = arith.constant 0 : i32
    %dma_wait3A_133 = tpu.memref_slice %arg9[%dma_wait3A_131, %dma_wait3A_132] : memref<32x128xf32, #tpu.memory_space<vmem>> -> memref<8x128xf32, #tpu.memory_space<vmem>>
    %dma_wait3A_134 = arith.constant 0 : i32
    %dma_wait3A_135 = tpu.memref_slice %arg4[%add3A_108, %dma_wait3A_134] : memref<106496x128xf32, #tpu.memory_space<hbm>> -> memref<8x128xf32, #tpu.memory_space<hbm>>
    %dma_wait3A_136 = arith.constant 0 : i32
    %dma_wait3A_137 = tpu.memref_slice %arg4[%add3A_108, %dma_wait3A_136] : memref<106496x128xf32, #tpu.memory_space<hbm>> -> memref<8x128xf32, #tpu.memory_space<hbm>>
    %dma_wait3A_138 = arith.constant 16 : i32
    %dma_wait3A_139 = arith.constant 0 : i32
    %dma_wait3A_140 = tpu.memref_slice %arg9[%dma_wait3A_138, %dma_wait3A_139] : memref<32x128xf32, #tpu.memory_space<vmem>> -> memref<8x128xf32, #tpu.memory_space<vmem>>
    tpu.wait_dma2 semaphore(%arg11 : memref<!tpu.dma_semaphore, #tpu.memory_space<semaphore_mem>>) src(%dma_wait3A_140 : memref<8x128xf32, #tpu.memory_space<vmem>>) dst(%dma_wait3A_137 : memref<8x128xf32, #tpu.memory_space<hbm>>)
    %dma_wait3A_141 = arith.constant 24 : i32
    %dma_wait3A_142 = arith.constant 0 : i32
    %dma_wait3A_143 = tpu.memref_slice %arg9[%dma_wait3A_141, %dma_wait3A_142] : memref<32x128xf32, #tpu.memory_space<vmem>> -> memref<8x128xf32, #tpu.memory_space<vmem>>
    %dma_wait3A_144 = arith.constant 0 : i32
    %dma_wait3A_145 = tpu.memref_slice %arg4[%add3A_110, %dma_wait3A_144] : memref<106496x128xf32, #tpu.memory_space<hbm>> -> memref<8x128xf32, #tpu.memory_space<hbm>>
    %dma_wait3A_146 = arith.constant 0 : i32
    %dma_wait3A_147 = tpu.memref_slice %arg4[%add3A_110, %dma_wait3A_146] : memref<106496x128xf32, #tpu.memory_space<hbm>> -> memref<8x128xf32, #tpu.memory_space<hbm>>
    %dma_wait3A_148 = arith.constant 24 : i32
    %dma_wait3A_149 = arith.constant 0 : i32
    %dma_wait3A_150 = tpu.memref_slice %arg9[%dma_wait3A_148, %dma_wait3A_149] : memref<32x128xf32, #tpu.memory_space<vmem>> -> memref<8x128xf32, #tpu.memory_space<vmem>>
    tpu.wait_dma2 semaphore(%arg11 : memref<!tpu.dma_semaphore, #tpu.memory_space<semaphore_mem>>) src(%dma_wait3A_150 : memref<8x128xf32, #tpu.memory_space<vmem>>) dst(%dma_wait3A_147 : memref<8x128xf32, #tpu.memory_space<hbm>>)
    return
  }
}

</mosaic_0001>

<sc_bundles>
// kernel: _embed.3.cloned.1.call-start
scs
__scs_entry_jumppad:
0x0: {  	(pc) =	sbr.rel $0x88, $3  }
0x1: {  	(tag) =	ssettag $0x0;
	lr =	simm.s32 $0x1  }
0x2: {  	[smem:$0x3F9F] =	sst lr;
	_ =	strace $0xD0000000  }
0x3: {  	_ = 	snop  }
0x4: {  	_ = 	snop  }
0x5: {  	_ = 	snop  }
0x6: {  	_ = 	snop  }
0x7: {  	_ = 	snop  }
__scs_overlays_trampoline_lowered:
0x8: {  	[smem:$0x3FAE] =	sst s0  }
0x9: {  	[smem:$0x3FAF] =	sst s1  }
0xa: {  	[smem:$0x3FB0] =	sst s2  }
0xb: {  	[smem:$0x3FB1] =	sst s3  }
0xc: {  	[smem:$0x3FB2] =	sst s4  }
0xd: {  	[smem:$0x3FB3] =	sst s5  }
0xe: {  	[smem:$0x3FB4] =	sst s6  }
0xf: {  	[smem:$0x3FB5] =	sst s7  }
0x10: {  	[smem:$0x3FB6] =	sst s8  }
0x11: {  	[smem:$0x3FB7] =	sst s9;
	s0 =	simm.s32 @!p0 $0x0  }
0x12: {  	s1 =	sld [smem:$0x3F9D];
	s0 =	simm.s32 @p0 $0x1  }
0x13: {  	[smem:$0x3FB8] =	sst s0;
	s0 =	simm.s32 @!p1 $0x0  }
0x14: {  	s2 =	sld [smem:$0x3F9C];
	s0 =	simm.s32 @p1 $0x1  }
0x15: {  	[smem:$0x3FB9] =	sst s0;
	s0 =	simm.s32 @!p2 $0x0  }
0x16: {  	s3 =	sld [smem:$0x3FDB];
	s0 =	simm.s32 @p2 $0x1  }
0x17: {  	s4 =	simm.s32 $0x1BF5;
	[smem:$0x3FBB] =	sst s0  }
0x18: {  	s0 =	sld [smem:$0x3F9E];
	_ =	swait.ge [sflag:s4], $0x0  }
0x19: {  	s7 =	sld [smem:$0x3F9F]  }
0x1a: {  	s8 =	sadd.s32 $0xFFFFE003, lr  }
0x1b: {  	s9 =	sadd.s32 $0xFFFFFEF7, lr;
	s5 =	simm.s32 $0xFFFFFFFF;
	p2 =	slt.u32 s8, $0xFFFFF086  }
0x1c: {  	p1 =	slt.u32 s9, $0xF7A;
	s5 =	simm.s32 @!p2 $0x0  }
0x1d: {  	s5 =	simm.s32 @p1 $0x1;
	p0 =	seq.s32 s7, s2  }
0x1e: {  	s7 =	smul.u32 @!p0 $0xF7A, s2;
	p2 =	seq.s32 @!p0 s5, $0x0  }
0x1f: {  	s9 =	smul.u32 $0xF7A, s1;
	s8 =	simm.s32 @!p0 $0x1BF5;
	p2 =	por !p2, p0  }
0x20: {  	[sflag:s8] =	ssyncset.s32 @!p0 $0xFFFFF086;
	s6 =	sadd.s32 @!p0 s3, s7;
	s7 =	simm.s32 @!p0 $0x108  }
0x21: {  	s3 =	sadd.s32 s3, s9;
	s6 =	sadd.s32 @!p0 $0x88, s6;
	s7 =	simm.s32 @p2 $0x1082  }
0x22: {  	[simem:s7], [sflag:s8] =	dma.local @!p0 [hbm:s6], $0xF7A  }
0x23: {  	s9 =	sor.u32 $0xD0000000, s2;
	s6 =	simm.s32 $0x108;
	_ =	swait.ge @!p0 [sflag:s8], $0x0  }
0x24: {  	s3 =	sadd.s32 $0x88, s3;
	s6 =	simm.s32 @!p1 $0x1082;
	[sflag:s4] =	ssyncset.s32 $0xFFFFF086  }
0x25: {  	[simem:s6], [sflag:s4] =	dma.local [hbm:s3], $0xF7A  }
0x26: {  	[smem:$0x3F9F] =	sst s1;
	(tag) =	ssettag s2;
	_ =	strace s9  }
0x27: {  	s1 =	sld [smem:$0x3FAF]  }
0x28: {  	s2 =	sld [smem:$0x3FB0]  }
0x29: {  	s4 =	sld [smem:$0x3FB2]  }
0x2a: {  	p0 =	seq.s32 s5, $0x0;
	s5 =	sld [smem:$0x3FB3]  }
0x2b: {  	s6 =	sld [smem:$0x3FB4]  }
0x2c: {  	s7 =	sld [smem:$0x3FB5]  }
0x2d: {  	s3 =	simm.s32 $0x108;
	s8 =	sld [smem:$0x3FB6]  }
0x2e: {  	s3 =	simm.s32 @!p0 $0x1082;
	s9 =	sld [smem:$0x3FB7]  }
0x2f: {  	lr =	sadd.s32 s0, s3;
	s0 =	sld [smem:$0x3FAE]  }
0x30: {  	s3 =	sld [smem:$0x3FB1]  }
0x31: {  	[smem:$0x3FBA] =	sst s10  }
0x32: {  	s10 =	sld [smem:$0x3FB8];
	_ =	sdelay $0x3  }
0x33: {  	p0 =	seq.s32 s10, $0x1;
	s10 =	sld [smem:$0x3FBA];
	_ =	sdelay $0x3  }
0x34: {  	[smem:$0x3FBA] =	sst s10  }
0x35: {  	s10 =	sld [smem:$0x3FB9];
	_ =	sdelay $0x3  }
0x36: {  	p1 =	seq.s32 s10, $0x1;
	s10 =	sld [smem:$0x3FBA];
	_ =	sdelay $0x3  }
0x37: {  	[smem:$0x3FBA] =	sst s10  }
0x38: {  	s10 =	sld [smem:$0x3FBB]  }
0x39: {  	_ = 	snop;
	(pc) =	sbr.ind lr, $3  }
0x3a: {  	_ = 	snop  }
0x3b: {  	_ = 	snop  }
0x3c: {  	p2 =	seq.s32 s10, $0x1;
	s10 =	sld [smem:$0x3FBA]  }
0x3d: {  	_ =	shalt  }
0x3e: {  	_ =	shalt  }
0x3f: {  	_ =	shalt  }
0x40: {  	_ =	shalt  }
0x41: {  	_ =	shalt  }
0x42: {  	_ =	shalt  }
0x43: {  	_ =	shalt  }
0x44: {  	_ =	shalt  }
0x45: {  	_ =	shalt  }
0x46: {  	_ =	shalt  }
0x47: {  	_ =	shalt  }
0x48: {  	_ =	shalt  }
0x49: {  	_ =	shalt  }
0x4a: {  	_ =	shalt  }
0x4b: {  	_ =	shalt  }
0x4c: {  	_ =	shalt  }
0x4d: {  	_ =	shalt  }
0x4e: {  	_ =	shalt  }
0x4f: {  	_ =	shalt  }
0x50: {  	_ =	shalt  }
0x51: {  	_ =	shalt  }
0x52: {  	_ =	shalt  }
0x53: {  	_ =	shalt  }
0x54: {  	_ =	shalt  }
0x55: {  	_ =	shalt  }
0x56: {  	_ =	shalt  }
0x57: {  	_ =	shalt  }
0x58: {  	_ =	shalt  }
0x59: {  	_ =	shalt  }
0x5a: {  	_ =	shalt  }
0x5b: {  	_ =	shalt  }
0x5c: {  	_ =	shalt  }
0x5d: {  	_ =	shalt  }
0x5e: {  	_ =	shalt  }
0x5f: {  	_ =	shalt  }
0x60: {  	_ =	shalt  }
0x61: {  	_ =	shalt  }
0x62: {  	_ =	shalt  }
0x63: {  	_ =	shalt  }
0x64: {  	_ =	shalt  }
0x65: {  	_ =	shalt  }
0x66: {  	_ =	shalt  }
0x67: {  	_ =	shalt  }
0x68: {  	_ =	shalt  }
0x69: {  	_ =	shalt  }
0x6a: {  	_ =	shalt  }
0x6b: {  	_ =	shalt  }
0x6c: {  	_ =	shalt  }
0x6d: {  	_ =	shalt  }
0x6e: {  	_ =	shalt  }
0x6f: {  	_ =	shalt  }
0x70: {  	_ =	shalt  }
0x71: {  	_ =	shalt  }
0x72: {  	_ =	shalt  }
0x73: {  	_ =	shalt  }
0x74: {  	_ =	shalt  }
0x75: {  	_ =	shalt  }
0x76: {  	_ =	shalt  }
0x77: {  	_ =	shalt  }
0x78: {  	_ =	shalt  }
0x79: {  	_ =	shalt  }
0x7a: {  	_ =	shalt  }
0x7b: {  	_ =	shalt  }
0x7c: {  	_ =	shalt  }
0x7d: {  	_ =	shalt  }
0x7e: {  	_ =	shalt  }
0x7f: {  	_ =	shalt  }
0x80: {  	_ =	shalt  }
0x81: {  	_ =	shalt  }
0x82: {  	_ =	shalt  }
0x83: {  	_ =	shalt  }
0x84: {  	_ =	shalt  }
0x85: {  	_ =	shalt  }
0x86: {  	_ =	shalt  }
0x87: {  	_ =	shalt  }
.Lfunc_end0:
.L_simem_size_0:
called_computation_lowered:
.L_overlay_start_0:
0x88: {  	s2 =	sld [smem:$0x3FD9]  }
0x89: {  	s3 =	sld [smem:$0x3FFE];
	_ =	sdelay $0x1  }
0x8a: {  	s1 =	srdreg.scid  }
0x8b: {  	s0 =	sand.u32 $0x1, s1  }
0x8c: {  	s17 =	sshll.u32 s0, $0xA;
	s2 =	sadd.s32 s3, s2  }
0x8d: {  	s2 =	sadd.s32 s2, s17  }
0x8e: {  	[smem:$0x3FC6] =	sst s2  }
0x8f: {  	_ = 	snop  }
0x90: {  	s2 =	sld [smem:$0x3FC9]  }
0x91: {  	s18 =	sld [smem:$0x3FD0];
	(tm) =	ssettm $0x1  }
0x92: {  	s4 =	sld [smem:$0x3FFB];
	_ =	sdelay $0x3  }
0x93: {  	_ =	strace s4  }
0x94: {  	s4 =	sld [smem:$0x3FFC];
	_ =	sdelay $0x3  }
0x95: {  	_ =	strace s4  }
0x96: {  	s4 =	sld [smem:$0x3FFD];
	_ =	sdelay $0x3  }
0x97: {  	_ =	strace s4  }
0x98: {  	_ =	strace $0x8FFFFFFF  }
0x99: {  	s19 =	sld [smem:$0x3FDB];
	_ =	sdelay $0x1  }
0x9a: {  	s5 =	simm.s32 $_scs_section_size  }
0x9b: {  	s6 =	simm.s32 $_size__tile_overlayer_lowered;
	s7 =	simm.s32 $_tile_overlayer_lowered  }
0x9c: {  	s22 =	simm.s32 $0x1BFF;
	s21 =	sshll.u32 s7, $0x1;
	s4 =	sadd.s32 s5, s19  }
0x9d: {  	s8 =	simm.s32 $0x0;
	s20 =	sshll.u32 s6, $0x1;
	s6 =	sadd.s32 s21, s4  }
0x9e: {  	[timem:s8], [sflag:s22] =	dma.local [hbm:s6], s20  }
0x9f: {  	_ =	swait.ge [sflag:s22], s20  }
0xa0: {  	s5 =	ssub.s32 $0x0, s20;
	[sflag:s22] =	ssyncset.done $0x0  }
0xa1: {  	[sflag:s22] =	ssyncadd.s32 s5;
	_ =	sdelay $0x1  }
0xa2: {  	s23 =	simm.s32 $0x1B8B  }
0xa3: {  	_ =	swait.ge [sflag:s23], $0x1  }
0xa4: {  	[sflag:s23] =	ssyncset.done $0x0  }
0xa5: {  	s25 =	simm.s32 $0x1B8E;
	s24 =	sld [smem:$0x3FFE];
	[sflag:s23] =	ssyncadd.s32 $0xFFFFFFFF  }
0xa6: {  	s26 =	simm.s32 $execute0_lowered;
	[smem:$0x3FD2] =	sst s25  }
0xa7: {  	s6 =	sshll.u32 s26, $0x1;
	_ =	strace $0x80000046;
	[dreg:$0x1] =	wrdreg $0xFFFFFFFF  }
0xa8: {  	s28 =	simm.s32 $_size_execute0_lowered;
	s4 =	sadd.s32 s4, s6;
	[dreg:$0x0] =	wrdreg $0x0  }
0xa9: {  	s6 =	sshll.u32 s28, $0x1;
	[dreg:$0x2] =	wrdreg s4  }
0xaa: {  	[dreg:$0x3] =	wrdreg s6  }
0xab: {  	[dreg:$0x4] =	wrdreg $0xC0  }
0xac: {  	_ =	task [dreg:s8], $0x5FFFF  }
0xad: {  	[dreg:$0x1] =	wrdreg $0xFFFFFFFF  }
0xae: {  	[dreg:$0x0] =	wrdreg $0x60  }
0xaf: {  	[dreg:$0x2] =	wrdreg s24  }
0xb0: {  	[dreg:$0x3] =	wrdreg s2  }
0xb1: {  	[dreg:$0x4] =	wrdreg s18  }
0xb2: {  	[dreg:$0x5] =	wrdreg $0x9  }
0xb3: {  	_ =	task.clear_ibuf [dreg:s8], $0x6FFFF;
	_ =	strace $0x90000046  }
0xb4: {  	s29 =	simm.s32 $0x9;
	_ =	strace $0x80000048  }
0xb5: {  	_ =	swait.ge [sflag:s29], $0x1  }
0xb6: {  	[sflag:s29] =	ssyncadd.s32 $0xFFFFFFFF  }
0xb7: {  	_ =	strace $0x90000048  }
0xb8: {  	_ =	sfence  }
0xb9: {  	s30 =	sld [smem:$0x0];
	_ =	sdelay $0x2  }
0xba: {  	s31 =	sshll.u32 s1, $0xD;
	s1 =	sshrl.u32 s1, $0x2  }
0xbb: {  	s3 =	sand.u32 $0x4000, s31;
	s1 =	sadd.s32 s1, s30  }
0xbc: {  	s0 =	sor.u32 s3, s0;
	s1 =	sshll.u32 s1, $0x11  }
0xbd: {  	s0 =	sor.u32 s1, s0  }
0xbe: {  	s0 =	sadd.s32 $0x8F2B, s0  }
0xbf: {  	[sflag:s0] =	ssyncadd.remote.s32 $0x1  }
0xc0: {  	_ =	sfence.sel $0xFFFF  }
0xc1: {  	[dreg:$0x0] =	wrdreg $0xFFFFFFFF;
	(pc) =	sbr.abs _section_cstart, $3  }
0xc2: {  	[dreg:$0x1] =	wrdreg $0xFFFFFFFF  }
0xc3: {  	_ =	task.clear_ibuf [dreg:s8], $0x2FFFF;
	_ =	strace $0x9FFFFFFF  }
0xc4: {  	(tm) =	ssettm $0x7FFFFFFF  }
0xc5: {  	_ =	shalt  }
tec
execute0_lowered:
.L_overlay_start_1:
0x0: {  	(tag) =	ssettag $0x1  }
0x1: {  	s0 =	rddreg [dreg:$0x0]  }
0x2: {  	s1 =	rddreg [dreg:$0x1]  }
0x3: {  	s2 =	rddreg [dreg:$0x2]  }
0x4: {  	s3 =	srdreg.scid;
	s5 =	stileid.u32  }
0x5: {  	s13 =	simm.s32 $0x3;
	s14 =	simm.s32 $0x80;
	s15 =	simm.s32 $0x4000  }
0x6: {  	s16 =	simm.s32 $0x1;
	s17 =	simm.s32 $0x5000;
	s18 =	simm.s32 $0x6000  }
0x7: {  	s19 =	simm.s32 $0x6400;
	s20 =	simm.s32 $0x6800;
	s21 =	simm.s32 $0x6C00  }
0x8: {  	s22 =	simm.s32 $0x7000;
	s23 =	simm.s32 $0x7400;
	s24 =	simm.s32 $0x7800  }
0x9: {  	s25 =	simm.s32 $0x7C00;
	s26 =	simm.s32 $0x2;
	s28 =	simm.s32 $0x0  }
0xa: {  	v0 =	vlaneseq.u32;
	s4 =	sand.u32 $0x1, s3;
	s3 =	simm.s32 $0x0;
	s5 =	sshll.u32 s5, $0x3  }
0xb: {  	s9 =	sadd.s32 $0xC000, s2;
	v0 =	vmul.u32 $0x20, v0;
	s6 =	sshll.u32 s4, $0x2;
	[smem:$0x7FF] =	sst s3  }
0xc: {  	s7 =	ssub.s32 $0x2, s4;
	s4 =	sor.u32 s6, s5;
	_ =	strace $0x80000047  }
0xd: {  	s30 =	sshrl.u32 s7, $0x1;
	s5 =	sadd.s32 $0xF42800, s0;
	v1 =	vor.u32 $0x200, v0;
	s8 =	sshll.u32 s4, $0x7  }
0xe: {  	v2 =	vor.u32 $0x400, v0;
	v3 =	vor.u32 $0x600, v0;
	v4 =	vor.u32 $0x800, v0;
	s31 =	ssub.s32 s7, s30;
	s7 =	sadd.s32 $0x4000, s2;
	s1 =	sadd.s32 s1, s8  }
0xf: {  	v5 =	vor.u32 $0xA00, v0;
	v6 =	vor.u32 $0xC00, v0;
	v7 =	vor.u32 $0xE00, v0;
	s8 =	sadd.s32 $0x8000, s2;
	s10 =	smax.u32 s31, $0x1;
	[dreg:$0x4] =	wrdreg s1  }
.LBB2_1:
0x10: {  	s0 =	rddreg [dreg:$0x4];
	s1 =	simm.s32 $0x1000;
	s6 =	simm.s32 $0x20000  }
0x11: {  	[tilespmem:s3], [sflag:$0x3] =	stream.strided.gather [hbm4b:s0+s1], $0x4000, s6, s1, $0x38;
	[tilespmem:$0x8000] =	vst v63  }
0x12: {  	_ =	swait.ge [sflag:s13], $0x4000  }
0x13: {  	[sflag:s13] =	ssyncset.done $0x0  }
0x14: {  	s29 =	simm.s32 $0x0;
	[sflag:s13] =	ssyncadd.s32 $0xFFFFC000  }
0x15: {  	[tilespmem:s15], [sflag:$0x1] =	stream.indirect.gather [hbm4b:s5+s14], $0x20, s3, s14, $0xb8;
	[tilespmem:$0x8000] =	vst v63  }
.LBB2_2:
0x16: {  	s30 =	sshllo.u32 s29, $0x1  }
0x17: {  	_ =	swait.ge [sflag:s16], $0x1000;
	s1 =	sshll.u32 s29, $0x8;
	s0 =	sshll.u32 s30, $0xA  }
0x18: {  	s6 =	sshll.u32 s29, $0x6;
	s1 =	sand.u32 $0x3000, s1;
	s0 =	sand.u32 $0xC00, s0  }
0x19: {  	[sflag:s16] =	ssyncset.done $0x0;
	s6 =	sand.u32 $0x380, s6;
	s0 =	sor.u32 s0, s1  }
0x1a: {  	p0 =	seq.s32 s29, $0x0;
	[sflag:s16] =	ssyncadd.s32 $0xFFFFF000;
	s0 =	sor.u32 s6, s0  }
0x1b: {  	[tilespmem:s17], [sflag:$0x1] =	stream.indirect.gather [hbm4b:s5+s14], $0x20, s0, s14, $0xb8;
	[tilespmem:$0x8000] =	vst v63  }
0x1c: {  	s0 =	simm.s32 @!p0 $0x2  }
0x1d: {  	_ =	swait.ge @!p0 [sflag:s0], $0x400  }
0x1e: {  	[sflag:s0] =	ssyncset.done @!p0 $0x0  }
0x1f: {  	s6 =	simm.s32 $0x3;
	[sflag:s0] =	ssyncadd.s32 @!p0 $0xFFFFFC00  }
0x20: {  	s11 =	simm.s32 $0x1;
	v8 =	vmov s6;
	_ =	swait.ge @!p0 [sflag:s0], $0x400  }
0x21: {  	s12 =	simm.s32 $0x2;
	v9 =	vmov s11;
	v8 =	vand.u32 $0x1F, v8;
	[sflag:s0] =	ssyncset.done @!p0 $0x0  }
0x22: {  	v10 =	vmov s12;
	v9 =	vand.u32 $0x1D, v9;
	s6 =	simm.s32 $0x0;
	v14 =	vbroadcast v8, $0x0;
	[sflag:s0] =	ssyncadd.s32 @!p0 $0xFFFFFC00  }
0x23: {  	v17 =	vbroadcast v9, $0x0;
	v9 =	vmov s6;
	v8 =	vand.u32 $0x1E, v10;
	_ =	swait.ge @!p0 [sflag:s0], $0x400  }
0x24: {  	v9 =	vand.u32 $0x1C, v9;
	v16 =	vbroadcast v8, $0x0;
	v8 =	vor.u32 v0, v14;
	[sflag:s0] =	ssyncset.done @!p0 $0x0  }
0x25: {  	v10 =	vor.u32 v0, v17;
	v12 =	vbroadcast v9, $0x0;
	[sflag:s0] =	ssyncadd.s32 @!p0 $0xFFFFFC00  }
0x26: {  	v9 =	vor.u32 v0, v16;
	_ =	swait.ge @!p0 [sflag:s0], $0x400  }
0x27: {  	v11 =	vor.u32 v0, v12;
	[sflag:s0] =	ssyncset.done @!p0 $0x0  }
0x28: {  	[sflag:s0] =	ssyncadd.s32 @!p0 $0xFFFFFC00  }
0x29: {  	v8 =	vld.idx.msk [tilespmem:v8+s15+$0x0], $0xffff  }
0x2a: {  	v13 =	vor.u32 v1, v14;
	v10 =	vld.idx.msk [tilespmem:v10+s15+$0x0], $0xffff  }
0x2b: {  	v15 =	vor.u32 v1, v17;
	v9 =	vld.idx.msk [tilespmem:v9+s15+$0x0], $0xffff  }
0x2c: {  	v18 =	vor.u32 v1, v16;
	v11 =	vld.idx.msk [tilespmem:v11+s15+$0x0], $0xffff  }
0x2d: {  	v19 =	vor.u32 v1, v12;
	s0 =	simm.s32 $0x6100  }
0x2e: {  	[tilespmem:s0+$0x80] =	vst v8  }
0x2f: {  	[tilespmem:s0+$0xFFFFFF80] =	vst v10;
	v8 =	vld.idx.msk [tilespmem:v13+s15+$0x0], $0xffff  }
0x30: {  	[tilespmem:s0+$0x0] =	vst v9;
	v9 =	vor.u32 v2, v14;
	v10 =	vld.idx.msk [tilespmem:v15+s15+$0x0], $0xffff  }
0x31: {  	[tilespmem:s0+$0xFFFFFF00] =	vst v11;
	v13 =	vld.idx.msk [tilespmem:v18+s15+$0x0], $0xffff;
	v15 =	vor.u32 v2, v17  }
0x32: {  	v11 =	vor.u32 v2, v16;
	v18 =	vld.idx.msk [tilespmem:v19+s15+$0x0], $0xffff  }
0x33: {  	v19 =	vor.u32 v2, v12  }
0x34: {  	[tilespmem:s0+$0x90] =	vst v8  }
0x35: {  	s11 =	simm.s32 $0x4;
	[tilespmem:s0+$0xFFFFFF90] =	vst v10;
	v10 =	vld.idx.msk [tilespmem:v9+s15+$0x0], $0xffff  }
0x36: {  	s12 =	simm.s32 $0x5;
	v8 =	vmov s11;
	[tilespmem:s0+$0x10] =	vst v13;
	v13 =	vor.u32 v3, v14;
	v15 =	vld.idx.msk [tilespmem:v15+s15+$0x0], $0xffff  }
0x37: {  	v20 =	vor.u32 v3, v17;
	[tilespmem:s0+$0xFFFFFF10] =	vst v18;
	v8 =	vand.u32 $0x1C, v8;
	v9 =	vmov s12;
	v11 =	vld.idx.msk [tilespmem:v11+s15+$0x0], $0xffff  }
0x38: {  	v18 =	vor.u32 v3, v16;
	v19 =	vld.idx.msk [tilespmem:v19+s15+$0x0], $0xffff;
	v8 =	vbroadcast v8, $0x0;
	v9 =	vand.u32 $0x1D, v9  }
0x39: {  	v22 =	vor.u32 v3, v12;
	v9 =	vbroadcast v9, $0x0  }
0x3a: {  	s6 =	simm.s32 $0x7;
	v21 =	vor.u32 v0, v8;
	[tilespmem:s0+$0xA0] =	vst v10  }
0x3b: {  	s11 =	simm.s32 $0x6;
	v23 =	vor.u32 v0, v9;
	[tilespmem:s0+$0xFFFFFFA0] =	vst v15;
	v10 =	vmov s6;
	v15 =	vld.idx.msk [tilespmem:v13+s15+$0x0], $0xffff  }
0x3c: {  	v25 =	vmov s11;
	[tilespmem:s0+$0x20] =	vst v11;
	v11 =	vor.u32 v4, v14;
	v20 =	vld.idx.msk [tilespmem:v20+s15+$0x0], $0xffff;
	v10 =	vand.u32 $0x1F, v10  }
0x3d: {  	v24 =	vor.u32 v4, v17;
	[tilespmem:s0+$0xFFFFFF20] =	vst v19;
	v18 =	vld.idx.msk [tilespmem:v18+s15+$0x0], $0xffff;
	v13 =	vbroadcast v10, $0x0;
	v10 =	vand.u32 $0x1E, v25  }
0x3e: {  	v19 =	vor.u32 v4, v16;
	v22 =	vld.idx.msk [tilespmem:v22+s15+$0x0], $0xffff;
	v10 =	vbroadcast v10, $0x0  }
0x3f: {  	v21 =	vld.idx.msk [tilespmem:v21+s15+$0x0], $0xffff;
	v25 =	vor.u32 v0, v13  }
0x40: {  	v23 =	vld.idx.msk [tilespmem:v23+s15+$0x0], $0xffff;
	v26 =	vor.u32 v0, v10;
	[tilespmem:s0+$0xB0] =	vst v15  }
0x41: {  	s11 =	simm.s32 $0x8;
	v15 =	vor.u32 v4, v12;
	[tilespmem:s0+$0xFFFFFFB0] =	vst v20;
	v20 =	vld.idx.msk [tilespmem:v11+s15+$0x0], $0xffff  }
0x42: {  	[tilespmem:s0+$0x30] =	vst v18;
	v18 =	vor.u32 v5, v14;
	v11 =	vmov s11;
	v24 =	vld.idx.msk [tilespmem:v24+s15+$0x0], $0xffff  }
0x43: {  	v27 =	vor.u32 v5, v17;
	v19 =	vld.idx.msk [tilespmem:v19+s15+$0x0], $0xffff;
	v11 =	vand.u32 $0x1C, v11  }
0x44: {  	[tilespmem:s0+$0xFFFFFF30] =	vst v22;
	v11 =	vbroadcast v11, $0x0;
	v22 =	vld.idx.msk [tilespmem:v25+s15+$0x0], $0xffff;
	v25 =	vor.u32 v5, v16  }
0x45: {  	v30 =	vor.u32 v1, v13;
	v26 =	vld.idx.msk [tilespmem:v26+s15+$0x0], $0xffff  }
0x46: {  	v28 =	vor.u32 v0, v11;
	v29 =	vld.idx.msk [tilespmem:v15+s15+$0x0], $0xffff;
	[tilespmem:s0+$0xC0] =	vst v20  }
0x47: {  	v20 =	vor.u32 v1, v9;
	[tilespmem:s0+$0xFFFFFFC0] =	vst v24;
	v18 =	vld.idx.msk [tilespmem:v18+s15+$0x0], $0xffff  }
0x48: {  	s31 =	simm.s32 $0x6300;
	v24 =	vor.u32 v1, v10;
	[tilespmem:s0+$0x40] =	vst v19;
	v27 =	vld.idx.msk [tilespmem:v27+s15+$0x0], $0xffff  }
0x49: {  	v19 =	vld.idx.msk [tilespmem:v25+s15+$0x0], $0xffff;
	v25 =	vor.u32 v6, v14;
	[tilespmem:s31+$0x80] =	vst v22  }
0x4a: {  	[tilespmem:s31+$0xFFFFFF80] =	vst v23;
	v23 =	vor.u32 v5, v12;
	v22 =	vld.idx.msk [tilespmem:v30+s15+$0x0], $0xffff  }
0x4b: {  	[tilespmem:s31+$0xFFFFFF00] =	vst v21;
	v15 =	vld.idx.msk [tilespmem:v28+s15+$0x0], $0xffff;
	v28 =	vor.u32 v1, v8  }
0x4c: {  	[tilespmem:s31+$0x0] =	vst v26;
	v26 =	vor.u32 v6, v17;
	v20 =	vld.idx.msk [tilespmem:v20+s15+$0x0], $0xffff  }
0x4d: {  	v30 =	vor.u32 v2, v13;
	v24 =	vld.idx.msk [tilespmem:v24+s15+$0x0], $0xffff;
	[tilespmem:s0+$0xD0] =	vst v18  }
0x4e: {  	v21 =	vor.u32 v2, v9;
	[tilespmem:s0+$0xFFFFFF40] =	vst v29;
	v25 =	vld.idx.msk [tilespmem:v25+s15+$0x0], $0xffff  }
0x4f: {  	v14 =	vor.u32 v7, v14;
	v23 =	vld.idx.msk [tilespmem:v23+s15+$0x0], $0xffff;
	[tilespmem:s0+$0xFFFFFFD0] =	vst v27  }
0x50: {  	v31 =	vor.u32 v2, v10;
	[tilespmem:s0+$0x50] =	vst v19;
	v28 =	vld.idx.msk [tilespmem:v28+s15+$0x0], $0xffff  }
0x51: {  	[tilespmem:s31+$0x90] =	vst v22;
	v18 =	vld.idx.msk [tilespmem:v26+s15+$0x0], $0xffff;
	v22 =	vor.u32 v6, v16  }
0x52: {  	s12 =	simm.s32 $0x9;
	v27 =	vor.u32 v2, v8;
	[tilespmem:s31+$0xFFFFFF90] =	vst v20;
	v20 =	vld.idx.msk [tilespmem:v30+s15+$0x0], $0xffff  }
0x53: {  	v26 =	vor.u32 v6, v12;
	v30 =	vld.idx.msk [tilespmem:v21+s15+$0x0], $0xffff;
	v21 =	vmov s12;
	[tilespmem:s0+$0xE0] =	vst v25  }
0x54: {  	v32 =	vor.u32 v3, v13;
	[tilespmem:s31+$0x10] =	vst v24;
	v25 =	vld.idx.msk [tilespmem:v14+s15+$0x0], $0xffff;
	v14 =	vand.u32 $0x1D, v21  }
0x55: {  	v31 =	vld.idx.msk [tilespmem:v31+s15+$0x0], $0xffff;
	[tilespmem:s31+$0xFFFFFF10] =	vst v28;
	v28 =	vor.u32 v3, v9;
	v14 =	vbroadcast v14, $0x0  }
0x56: {  	v29 =	vor.u32 v3, v10;
	[tilespmem:s0+$0xFFFFFF50] =	vst v23;
	v21 =	vld.idx.msk [tilespmem:v22+s15+$0x0], $0xffff  }
0x57: {  	v24 =	vld.idx.msk [tilespmem:v27+s15+$0x0], $0xffff;
	[tilespmem:s31+$0xA0] =	vst v20;
	v20 =	vor.u32 v0, v14  }
0x58: {  	v19 =	vld.idx.msk [tilespmem:v26+s15+$0x0], $0xffff;
	v26 =	vor.u32 v3, v8  }
0x59: {  	v27 =	vor.u32 v7, v17;
	[tilespmem:s31+$0xFFFFFFA0] =	vst v30;
	v22 =	vld.idx.msk [tilespmem:v32+s15+$0x0], $0xffff  }
0x5a: {  	s1 =	sshll.u32 s29, $0x1;
	s6 =	simm.s32 $0xB;
	s12 =	simm.s32 $0xC;
	[tilespmem:s31+$0x20] =	vst v31;
	v23 =	vld.idx.msk [tilespmem:v28+s15+$0x0], $0xffff;
	v28 =	vor.u32 v7, v16  }
.LBB2_3:
0x5b: {  	p0 =	slt.u32 s12, $0x1C;
	v16 =	vmov s6;
	v17 =	vld.idx.msk [tilespmem:v29+s15+$0x0], $0xffff;
	v29 =	vor.u32 v4, v13;
	[tilespmem:s0+$0xF0] =	vst v25  }
0x5c: {  	s6 =	sadd.s32 $0x2, s11;
	s11 =	smov.u32 s12;
	v20 =	vld.idx.msk [tilespmem:v20+s15+$0x0], $0xffff;
	v16 =	vand.u32 $0x1F, v16;
	[tilespmem:s31+$0xFFFFFF20] =	vst v24;
	v24 =	vor.u32 v4, v9  }
0x5d: {  	v30 =	vor.u32 v4, v10;
	v25 =	vmov s6;
	v16 =	vbroadcast v16, $0x0;
	v26 =	vld.idx.msk [tilespmem:v26+s15+$0x0], $0xffff;
	[tilespmem:s0+$0xFFFFFFE0] =	vst v18  }
0x5e: {  	v18 =	vand.u32 $0x1E, v25;
	v25 =	vor.u32 v7, v12;
	v12 =	vmovc v8;
	v8 =	vmov v11;
	v27 =	vld.idx.msk [tilespmem:v27+s15+$0x0], $0xffff;
	[tilespmem:s0+$0x60] =	vst v21  }
0x5f: {  	v31 =	vbroadcast v18, $0x0;
	v18 =	vor.u32 v0, v16;
	[tilespmem:s31+$0xB0] =	vst v22;
	v21 =	vld.idx.msk [tilespmem:v28+s15+$0x0], $0xffff  }
0x60: {  	v22 =	vor.u32 v4, v12;
	[tilespmem:s31+$0xFFFFFFB0] =	vst v23;
	v23 =	vld.idx.msk [tilespmem:v29+s15+$0x0], $0xffff  }
0x61: {  	v11 =	vmov s12;
	v28 =	vor.u32 v0, v31;
	v24 =	vld.idx.msk [tilespmem:v24+s15+$0x0], $0xffff;
	[tilespmem:s31+$0x30] =	vst v17  }
0x62: {  	v11 =	vand.u32 $0x1C, v11;
	v29 =	vor.u32 v5, v13;
	v17 =	vld.idx.msk [tilespmem:v30+s15+$0x0], $0xffff;
	[tilespmem:s0+$0xFFFFFF60] =	vst v19  }
0x63: {  	v11 =	vbroadcast v11, $0x0;
	v19 =	vor.u32 v5, v9;
	[tilespmem:s31+$0xFFFFFF30] =	vst v26;
	v25 =	vld.idx.msk [tilespmem:v25+s15+$0x0], $0xffff  }
0x64: {  	v26 =	vor.u32 v5, v10;
	v18 =	vld.idx.msk [tilespmem:v18+s15+$0x0], $0xffff;
	[tilespmem:s0+$0xFFFFFFF0] =	vst v27  }
0x65: {  	v27 =	vor.u32 v0, v11;
	v22 =	vld.idx.msk [tilespmem:v22+s15+$0x0], $0xffff;
	[tilespmem:s0+$0x70] =	vst v21  }
0x66: {  	v21 =	vld.idx.msk [tilespmem:v28+s15+$0x0], $0xffff;
	v28 =	vor.u32 v1, v16;
	[tilespmem:s31+$0xC0] =	vst v23  }
0x67: {  	v23 =	vor.u32 v1, v14;
	[tilespmem:s31+$0xFFFFFFC0] =	vst v24;
	v24 =	vld.idx.msk [tilespmem:v29+s15+$0x0], $0xffff  }
0x68: {  	v29 =	vor.u32 v1, v31;
	v19 =	vld.idx.msk [tilespmem:v19+s15+$0x0], $0xffff;
	[tilespmem:s31+$0x40] =	vst v17  }
0x69: {  	v17 =	vld.idx.msk [tilespmem:v26+s15+$0x0], $0xffff;
	v26 =	vor.u32 v6, v13;
	[tilespmem:s0+$0xFFFFFF70] =	vst v25;
	s0 =	smov.u32 s31;
	s31 =	sadd.s32 $0x200, s31  }
0x6a: {  	v25 =	vld.idx.msk [tilespmem:v27+s15+$0x0], $0xffff;
	v27 =	vor.u32 v1, v8;
	[tilespmem:s31+$0x80] =	vst v18  }
0x6b: {  	[tilespmem:s31+$0xFFFFFF80] =	vst v20;
	v18 =	vld.idx.msk [tilespmem:v28+s15+$0x0], $0xffff;
	v20 =	vor.u32 v5, v12  }
0x6c: {  	v23 =	vld.idx.msk [tilespmem:v23+s15+$0x0], $0xffff;
	[tilespmem:s31+$0x0] =	vst v21;
	v21 =	vor.u32 v6, v9  }
0x6d: {  	v28 =	vld.idx.msk [tilespmem:v29+s15+$0x0], $0xffff;
	v29 =	vor.u32 v2, v16;
	[tilespmem:s0+$0xD0] =	vst v24  }
0x6e: {  	v24 =	vor.u32 v2, v14;
	[tilespmem:s31+$0xFFFFFF00] =	vst v15;
	v26 =	vld.idx.msk [tilespmem:v26+s15+$0x0], $0xffff  }
0x6f: {  	v30 =	vor.u32 v2, v31;
	v27 =	vld.idx.msk [tilespmem:v27+s15+$0x0], $0xffff;
	[tilespmem:s0+$0xFFFFFF40] =	vst v22  }
0x70: {  	v15 =	vmov v25;
	v22 =	vld.idx.msk [tilespmem:v20+s15+$0x0], $0xffff;
	[tilespmem:s0+$0xFFFFFFD0] =	vst v19;
	v19 =	vor.u32 v7, v13;
	v13 =	vmov v16  }
0x71: {  	v16 =	vor.u32 v2, v8;
	[tilespmem:s31+$0x90] =	vst v18;
	v18 =	vld.idx.msk [tilespmem:v21+s15+$0x0], $0xffff  }
0x72: {  	s6 =	sadd.s32 $0x1, s12;
	v21 =	vor.u32 v6, v10;
	[tilespmem:s31+$0xFFFFFF90] =	vst v23;
	v23 =	vld.idx.msk [tilespmem:v29+s15+$0x0], $0xffff  }
0x73: {  	v20 =	vmov s6;
	v32 =	vld.idx.msk [tilespmem:v24+s15+$0x0], $0xffff;
	[tilespmem:s31+$0x10] =	vst v28;
	v28 =	vor.u32 v6, v12  }
0x74: {  	v20 =	vand.u32 $0x1D, v20;
	v33 =	vor.u32 v3, v13;
	v30 =	vld.idx.msk [tilespmem:v30+s15+$0x0], $0xffff;
	[tilespmem:s0+$0xE0] =	vst v26  }
0x75: {  	v35 =	vor.u32 v3, v14;
	v34 =	vbroadcast v20, $0x0;
	[tilespmem:s31+$0xFFFFFF10] =	vst v27;
	v25 =	vld.idx.msk [tilespmem:v19+s15+$0x0], $0xffff  }
.Ltmp0:
0x76: {  	v29 =	vor.u32 v3, v31;
	v24 =	vld.idx.msk [tilespmem:v16+s15+$0x0], $0xffff;
	[tilespmem:s0+$0x50] =	vst v17;
	(pc) =	sbr.rel @p0 .LBB2_3-.Ltmp0, $4  }
0x77: {  	v20 =	vor.u32 v0, v34;
	[tilespmem:s0+$0xFFFFFF50] =	vst v22;
	v21 =	vld.idx.msk [tilespmem:v21+s15+$0x0], $0xffff  }
0x78: {  	v26 =	vor.u32 v3, v8;
	[tilespmem:s31+$0xA0] =	vst v23;
	v19 =	vld.idx.msk [tilespmem:v28+s15+$0x0], $0xffff  }
0x79: {  	v27 =	vor.u32 v7, v9;
	v9 =	vmov v14;
	v14 =	vmov v34;
	[tilespmem:s31+$0xFFFFFFA0] =	vst v32;
	v22 =	vld.idx.msk [tilespmem:v33+s15+$0x0], $0xffff  }
0x7a: {  	s12 =	sadd.s32 $0x4, s12;
	s6 =	sadd.s32 $0x3, s11;
	v28 =	vor.u32 v7, v10;
	v10 =	vmov v31;
	v23 =	vld.idx.msk [tilespmem:v35+s15+$0x0], $0xffff;
	[tilespmem:s31+$0x20] =	vst v30  }
0x7b: {  	_ =	sdelay $0x2  }
0x7c: {  	v16 =	vmov s6;
	[tilespmem:s0+$0xF0] =	vst v25  }
0x7d: {  	v25 =	vld.idx.msk [tilespmem:v29+s15+$0x0], $0xffff;
	v29 =	vor.u32 v4, v13;
	s12 =	sadd.s32 $0x2, s11;
	[tilespmem:s31+$0xFFFFFF20] =	vst v24;
	v16 =	vand.u32 $0x1F, v16  }
0x7e: {  	v24 =	vor.u32 v4, v9;
	[tilespmem:s0+$0xFFFFFFE0] =	vst v18;
	v30 =	vmov s12;
	v17 =	vbroadcast v16, $0x0  }
0x7f: {  	v18 =	vld.idx.msk [tilespmem:v26+s15+$0x0], $0xffff;
	v26 =	vor.u32 v4, v10;
	[tilespmem:s0+$0x60] =	vst v21;
	v16 =	vand.u32 $0x1E, v30  }
0x80: {  	v21 =	vld.idx.msk [tilespmem:v27+s15+$0x0], $0xffff;
	[tilespmem:s0+$0xFFFFFF60] =	vst v19;
	v16 =	vbroadcast v16, $0x0;
	v27 =	vor.u32 v0, v17  }
0x81: {  	[tilespmem:s31+$0xB0] =	vst v22;
	v22 =	vld.idx.msk [tilespmem:v28+s15+$0x0], $0xffff  }
0x82: {  	[tilespmem:s31+$0xFFFFFFB0] =	vst v23;
	v23 =	vld.idx.msk [tilespmem:v29+s15+$0x0], $0xffff;
	v28 =	vor.u32 v0, v16  }
0x83: {  	[tilespmem:s31+$0x30] =	vst v25;
	v24 =	vld.idx.msk [tilespmem:v24+s15+$0x0], $0xffff  }
0x84: {  	v12 =	vor.u32 v7, v12;
	v19 =	vld.idx.msk [tilespmem:v26+s15+$0x0], $0xffff;
	[tilespmem:s31+$0xFFFFFF30] =	vst v18  }
0x85: {  	v18 =	vor.u32 v5, v13;
	[tilespmem:s0+$0xFFFFFFF0] =	vst v21;
	v25 =	vld.idx.msk [tilespmem:v27+s15+$0x0], $0xffff  }
0x86: {  	v20 =	vld.idx.msk [tilespmem:v20+s15+$0x0], $0xffff;
	v21 =	vor.u32 v1, v17;
	[tilespmem:s0+$0x70] =	vst v22  }
0x87: {  	v22 =	vld.idx.msk [tilespmem:v28+s15+$0x0], $0xffff;
	[tilespmem:s31+$0xC0] =	vst v23;
	v23 =	vor.u32 v1, v14  }
0x88: {  	[tilespmem:s31+$0xFFFFFFC0] =	vst v24;
	v24 =	vor.u32 v1, v16  }
0x89: {  	s11 =	sadd.s32 $0x200, s31;
	v12 =	vld.idx.msk [tilespmem:v12+s15+$0x0], $0xffff;
	[tilespmem:s31+$0x40] =	vst v19;
	v19 =	vor.u32 v1, v11  }
0x8a: {  	v26 =	vor.u32 v4, v8;
	v18 =	vld.idx.msk [tilespmem:v18+s15+$0x0], $0xffff;
	[tilespmem:s11+$0x80] =	vst v25  }
0x8b: {  	[tilespmem:s11+$0xFFFFFF80] =	vst v20;
	v25 =	vor.u32 v5, v9;
	v20 =	vld.idx.msk [tilespmem:v21+s15+$0x0], $0xffff  }
0x8c: {  	v21 =	vld.idx.msk [tilespmem:v23+s15+$0x0], $0xffff;
	[tilespmem:s11+$0x0] =	vst v22;
	v22 =	vor.u32 v2, v17  }
0x8d: {  	[tilespmem:s11+$0xFFFFFF00] =	vst v15;
	v15 =	vor.u32 v2, v14;
	v23 =	vld.idx.msk [tilespmem:v24+s15+$0x0], $0xffff  }
0x8e: {  	[tilespmem:s0+$0xFFFFFF70] =	vst v12;
	v12 =	vld.idx.msk [tilespmem:v19+s15+$0x0], $0xffff;
	v19 =	vor.u32 v2, v16  }
0x8f: {  	v24 =	vld.idx.msk [tilespmem:v26+s15+$0x0], $0xffff;
	[tilespmem:s31+$0xD0] =	vst v18;
	v18 =	vor.u32 v2, v11  }
0x90: {  	v26 =	vor.u32 v6, v13;
	v25 =	vld.idx.msk [tilespmem:v25+s15+$0x0], $0xffff;
	[tilespmem:s11+$0x90] =	vst v20  }
0x91: {  	v20 =	vor.u32 v5, v10;
	[tilespmem:s11+$0xFFFFFF90] =	vst v21;
	v21 =	vld.idx.msk [tilespmem:v22+s15+$0x0], $0xffff  }
0x92: {  	v15 =	vld.idx.msk [tilespmem:v15+s15+$0x0], $0xffff;
	[tilespmem:s11+$0x10] =	vst v23;
	v22 =	vor.u32 v3, v17  }
0x93: {  	[tilespmem:s11+$0xFFFFFF10] =	vst v12;
	v12 =	vor.u32 v3, v14;
	v19 =	vld.idx.msk [tilespmem:v19+s15+$0x0], $0xffff  }
0x94: {  	[tilespmem:s31+$0xFFFFFF40] =	vst v24;
	v23 =	vor.u32 v3, v16;
	v18 =	vld.idx.msk [tilespmem:v18+s15+$0x0], $0xffff  }
0x95: {  	v24 =	vld.idx.msk [tilespmem:v26+s15+$0x0], $0xffff;
	[tilespmem:s31+$0xFFFFFFD0] =	vst v25;
	v25 =	vor.u32 v3, v11  }
0x96: {  	v26 =	vor.u32 v5, v8;
	v20 =	vld.idx.msk [tilespmem:v20+s15+$0x0], $0xffff;
	[tilespmem:s11+$0xA0] =	vst v21  }
0x97: {  	v13 =	vor.u32 v7, v13;
	[tilespmem:s11+$0xFFFFFFA0] =	vst v15;
	v15 =	vld.idx.msk [tilespmem:v22+s15+$0x0], $0xffff  }
0x98: {  	v12 =	vld.idx.msk [tilespmem:v12+s15+$0x0], $0xffff;
	[tilespmem:s11+$0x20] =	vst v19;
	v19 =	vor.u32 v4, v17  }
0x99: {  	[tilespmem:s11+$0xFFFFFF20] =	vst v18;
	v18 =	vor.u32 v4, v14;
	v21 =	vld.idx.msk [tilespmem:v23+s15+$0x0], $0xffff  }
0x9a: {  	[tilespmem:s31+$0xE0] =	vst v24;
	v23 =	vor.u32 v4, v16;
	v22 =	vld.idx.msk [tilespmem:v25+s15+$0x0], $0xffff  }
0x9b: {  	v24 =	vld.idx.msk [tilespmem:v26+s15+$0x0], $0xffff;
	[tilespmem:s31+$0x50] =	vst v20;
	v20 =	vor.u32 v4, v11  }
0x9c: {  	v13 =	vld.idx.msk [tilespmem:v13+s15+$0x0], $0xffff;
	v25 =	vor.u32 v6, v9;
	[tilespmem:s11+$0xB0] =	vst v15  }
0x9d: {  	v15 =	vor.u32 v6, v10;
	[tilespmem:s11+$0xFFFFFFB0] =	vst v12;
	v12 =	vld.idx.msk [tilespmem:v19+s15+$0x0], $0xffff  }
0x9e: {  	v18 =	vld.idx.msk [tilespmem:v18+s15+$0x0], $0xffff;
	[tilespmem:s11+$0x30] =	vst v21;
	v19 =	vor.u32 v5, v17  }
0x9f: {  	v21 =	vld.idx.msk [tilespmem:v23+s15+$0x0], $0xffff;
	[tilespmem:s11+$0xFFFFFF30] =	vst v22;
	v22 =	vor.u32 v5, v14  }
0xa0: {  	[tilespmem:s31+$0xFFFFFF50] =	vst v24;
	v23 =	vor.u32 v5, v16;
	v20 =	vld.idx.msk [tilespmem:v20+s15+$0x0], $0xffff  }
0xa1: {  	[tilespmem:s31+$0xF0] =	vst v13;
	v13 =	vor.u32 v5, v11;
	v24 =	vld.idx.msk [tilespmem:v25+s15+$0x0], $0xffff  }
0xa2: {  	v25 =	vor.u32 v6, v8;
	v15 =	vld.idx.msk [tilespmem:v15+s15+$0x0], $0xffff;
	[tilespmem:s11+$0xC0] =	vst v12  }
0xa3: {  	v9 =	vor.u32 v7, v9;
	[tilespmem:s11+$0xFFFFFFC0] =	vst v18;
	v12 =	vld.idx.msk [tilespmem:v19+s15+$0x0], $0xffff  }
0xa4: {  	v18 =	vld.idx.msk [tilespmem:v22+s15+$0x0], $0xffff;
	[tilespmem:s11+$0x40] =	vst v21;
	v19 =	vor.u32 v6, v17  }
0xa5: {  	v22 =	vor.u32 v6, v14;
	v21 =	vld.idx.msk [tilespmem:v23+s15+$0x0], $0xffff;
	[tilespmem:s11+$0xFFFFFF40] =	vst v20  }
0xa6: {  	[tilespmem:s31+$0xFFFFFFE0] =	vst v24;
	v20 =	vor.u32 v6, v16;
	v13 =	vld.idx.msk [tilespmem:v13+s15+$0x0], $0xffff  }
0xa7: {  	v23 =	vld.idx.msk [tilespmem:v25+s15+$0x0], $0xffff;
	[tilespmem:s31+$0x60] =	vst v15;
	v15 =	vor.u32 v6, v11  }
0xa8: {  	v10 =	vor.u32 v7, v10;
	v9 =	vld.idx.msk [tilespmem:v9+s15+$0x0], $0xffff;
	[tilespmem:s11+$0xD0] =	vst v12  }
0xa9: {  	v8 =	vor.u32 v7, v8;
	[tilespmem:s11+$0xFFFFFFD0] =	vst v18;
	v12 =	vld.idx.msk [tilespmem:v19+s15+$0x0], $0xffff  }
0xaa: {  	v17 =	vor.u32 v7, v17;
	v18 =	vld.idx.msk [tilespmem:v22+s15+$0x0], $0xffff;
	[tilespmem:s11+$0x50] =	vst v21  }
0xab: {  	v14 =	vor.u32 v7, v14;
	[tilespmem:s11+$0xFFFFFF50] =	vst v13;
	v13 =	vld.idx.msk [tilespmem:v20+s15+$0x0], $0xffff  }
0xac: {  	v16 =	vor.u32 v7, v16;
	[tilespmem:s31+$0xFFFFFF60] =	vst v23;
	v15 =	vld.idx.msk [tilespmem:v15+s15+$0x0], $0xffff  }
0xad: {  	v10 =	vld.idx.msk [tilespmem:v10+s15+$0x0], $0xffff;
	[tilespmem:s31+$0xFFFFFFF0] =	vst v9;
	v9 =	vor.u32 v7, v11  }
0xae: {  	v8 =	vld.idx.msk [tilespmem:v8+s15+$0x0], $0xffff;
	[tilespmem:s11+$0xE0] =	vst v12  }
0xaf: {  	[tilespmem:s11+$0xFFFFFFE0] =	vst v18;
	v11 =	vld.idx.msk [tilespmem:v17+s15+$0x0], $0xffff  }
0xb0: {  	v12 =	vld.idx.msk [tilespmem:v14+s15+$0x0], $0xffff;
	[tilespmem:s11+$0x60] =	vst v13  }
0xb1: {  	v13 =	vld.idx.msk [tilespmem:v16+s15+$0x0], $0xffff;
	[tilespmem:s11+$0xFFFFFF60] =	vst v15  }
0xb2: {  	s6 =	sand.u32 $0x2, s1;
	[tilespmem:s31+$0x70] =	vst v10;
	v9 =	vld.idx.msk [tilespmem:v9+s15+$0x0], $0xffff  }
0xb3: {  	s12 =	sshll.u32 s29, $0xF;
	s0 =	sor.u32 s4, s6;
	[tilespmem:s31+$0xFFFFFF70] =	vst v8  }
0xb4: {  	s0 =	sshll.u32 s0, $0x7;
	s31 =	sand.u32 $0x1F0000, s12;
	[tilespmem:s11+$0xF0] =	vst v11  }
0xb5: {  	s0 =	sor.u32 s31, s0;
	[tilespmem:s11+$0xFFFFFFF0] =	vst v12  }
0xb6: {  	s12 =	sand.u32 $0x1F3F00, s0;
	[tilespmem:s11+$0x70] =	vst v13  }
0xb7: {  	s6 =	sadd.s32 s2, s12;
	[tilespmem:s11+$0xFFFFFF70] =	vst v9  }
0xb8: {  	[hbm4b:s6+s3] =	stream.linear.scatter [tilespmem:s18], [sflag:$0x2], $0x400, $0x38;
	[tilespmem:$0x8000] =	vst v63  }
0xb9: {  	s11 =	sadd.s32 s0, s7  }
0xba: {  	[hbm4b:s11+s3] =	stream.linear.scatter [tilespmem:s19], [sflag:$0x2], $0x400, $0x38;
	[tilespmem:$0x8000] =	vst v63  }
0xbb: {  	s12 =	sadd.s32 s0, s8  }
0xbc: {  	[hbm4b:s12+s3] =	stream.linear.scatter [tilespmem:s20], [sflag:$0x2], $0x400, $0x38;
	[tilespmem:$0x8000] =	vst v63  }
0xbd: {  	p0 =	seq.s32 s29, $0x33;
	s0 =	sadd.s32 s0, s9  }
0xbe: {  	[hbm4b:s0+s3] =	stream.linear.scatter [tilespmem:s21], [sflag:$0x2], $0x400, $0x38;
	[tilespmem:$0x8000] =	vst v63  }
0xbf: {  	p1 =	seq.s32 @!p0 s29, $0x0;
	s0 =	sadd.s32 @!p0 $0x2, s1;
	_ =	swait.ge [sflag:s16], $0x1000  }
0xc0: {  	s1 =	sshll.u32 @!p0 s0, $0xA;
	s6 =	sshll.u32 @!p0 s0, $0x7;
	s0 =	sshll.u32 @!p0 s0, $0x5  }
0xc1: {  	[sflag:s16] =	ssyncset.done $0x0;
	s1 =	sand.u32 @!p0 $0x800, s1;
	s6 =	sand.u32 @!p0 $0x7000, s6  }
0xc2: {  	s0 =	sand.u32 @!p0 $0x380, s0;
	[sflag:s16] =	ssyncadd.s32 $0xFFFFF000;
	s1 =	sor.u32 @!p0 s1, s6  }
0xc3: {  	s6 =	simm.s32 @!p0 $0x4000;
	s0 =	sor.u32 @!p0 s0, s1;
	s1 =	simm.s32 @!p0 $0x80  }
0xc4: {  	[tilespmem:s6], [sflag:$0x1] =	stream.indirect.gather @!p0 [hbm4b:s5+s1], $0x20, s0, s1, $0xb8;
	[tilespmem:$0x8000] =	vst v63  }
0xc5: {  	p0 =	por p0, !p1  }
0xc6: {  	_ =	swait.ge @p0 [sflag:s26], $0x400  }
0xc7: {  	[sflag:s26] =	ssyncset.done @p0 $0x0  }
0xc8: {  	s11 =	simm.s32 $0x3;
	[sflag:s26] =	ssyncadd.s32 @p0 $0xFFFFFC00  }
0xc9: {  	v8 =	vmov s11;
	s12 =	simm.s32 $0x1;
	_ =	swait.ge @p0 [sflag:s26], $0x400  }
0xca: {  	v8 =	vand.u32 $0x1F, v8;
	v9 =	vmov s12;
	s1 =	simm.s32 $0x2;
	[sflag:s26] =	ssyncset.done @p0 $0x0  }
0xcb: {  	v14 =	vbroadcast v8, $0x0;
	v9 =	vand.u32 $0x1D, v9;
	s6 =	simm.s32 $0x0;
	v10 =	vmov s1;
	[sflag:s26] =	ssyncadd.s32 @p0 $0xFFFFFC00  }
0xcc: {  	v17 =	vbroadcast v9, $0x0;
	v9 =	vmov s6;
	v8 =	vand.u32 $0x1E, v10;
	_ =	swait.ge @p0 [sflag:s26], $0x400  }
0xcd: {  	v9 =	vand.u32 $0x1C, v9;
	v16 =	vbroadcast v8, $0x0;
	v8 =	vor.u32 v0, v14;
	[sflag:s26] =	ssyncset.done @p0 $0x0  }
0xce: {  	v10 =	vor.u32 v0, v17;
	v13 =	vbroadcast v9, $0x0;
	[sflag:s26] =	ssyncadd.s32 @p0 $0xFFFFFC00  }
0xcf: {  	v9 =	vor.u32 v0, v16;
	_ =	swait.ge @p0 [sflag:s26], $0x400  }
0xd0: {  	v11 =	vor.u32 v0, v13;
	[sflag:s26] =	ssyncset.done @p0 $0x0  }
0xd1: {  	[sflag:s26] =	ssyncadd.s32 @p0 $0xFFFFFC00  }
0xd2: {  	v8 =	vld.idx.msk [tilespmem:v8+s17+$0x0], $0xffff  }
0xd3: {  	v12 =	vor.u32 v1, v14;
	v10 =	vld.idx.msk [tilespmem:v10+s17+$0x0], $0xffff  }
0xd4: {  	v15 =	vor.u32 v1, v17;
	v9 =	vld.idx.msk [tilespmem:v9+s17+$0x0], $0xffff  }
0xd5: {  	v18 =	vor.u32 v1, v16;
	v11 =	vld.idx.msk [tilespmem:v11+s17+$0x0], $0xffff  }
0xd6: {  	s1 =	simm.s32 $0x7100;
	v19 =	vor.u32 v1, v13  }
0xd7: {  	[tilespmem:s1+$0x80] =	vst v8  }
0xd8: {  	[tilespmem:s1+$0xFFFFFF80] =	vst v10;
	v8 =	vld.idx.msk [tilespmem:v12+s17+$0x0], $0xffff  }
0xd9: {  	[tilespmem:s1+$0x0] =	vst v9;
	v9 =	vor.u32 v2, v14;
	v10 =	vld.idx.msk [tilespmem:v15+s17+$0x0], $0xffff  }
0xda: {  	[tilespmem:s1+$0xFFFFFF00] =	vst v11;
	v12 =	vld.idx.msk [tilespmem:v18+s17+$0x0], $0xffff;
	v15 =	vor.u32 v2, v17  }
0xdb: {  	v11 =	vor.u32 v2, v16;
	v18 =	vld.idx.msk [tilespmem:v19+s17+$0x0], $0xffff  }
0xdc: {  	v19 =	vor.u32 v2, v13  }
0xdd: {  	[tilespmem:s1+$0x90] =	vst v8  }
0xde: {  	s11 =	simm.s32 $0x4;
	[tilespmem:s1+$0xFFFFFF90] =	vst v10;
	v10 =	vld.idx.msk [tilespmem:v9+s17+$0x0], $0xffff  }
0xdf: {  	s12 =	simm.s32 $0x5;
	v8 =	vmov s11;
	[tilespmem:s1+$0x10] =	vst v12;
	v12 =	vor.u32 v3, v14;
	v15 =	vld.idx.msk [tilespmem:v15+s17+$0x0], $0xffff  }
0xe0: {  	v20 =	vor.u32 v3, v17;
	[tilespmem:s1+$0xFFFFFF10] =	vst v18;
	v8 =	vand.u32 $0x1C, v8;
	v9 =	vmov s12;
	v11 =	vld.idx.msk [tilespmem:v11+s17+$0x0], $0xffff  }
0xe1: {  	v18 =	vor.u32 v3, v16;
	v19 =	vld.idx.msk [tilespmem:v19+s17+$0x0], $0xffff;
	v8 =	vbroadcast v8, $0x0;
	v9 =	vand.u32 $0x1D, v9  }
0xe2: {  	v22 =	vor.u32 v3, v13;
	v9 =	vbroadcast v9, $0x0  }
0xe3: {  	s6 =	simm.s32 $0x7;
	v21 =	vor.u32 v0, v8;
	[tilespmem:s1+$0xA0] =	vst v10  }
0xe4: {  	s11 =	simm.s32 $0x6;
	v23 =	vor.u32 v0, v9;
	[tilespmem:s1+$0xFFFFFFA0] =	vst v15;
	v10 =	vmov s6;
	v15 =	vld.idx.msk [tilespmem:v12+s17+$0x0], $0xffff  }
0xe5: {  	v25 =	vmov s11;
	[tilespmem:s1+$0x20] =	vst v11;
	v11 =	vor.u32 v4, v14;
	v20 =	vld.idx.msk [tilespmem:v20+s17+$0x0], $0xffff;
	v10 =	vand.u32 $0x1F, v10  }
0xe6: {  	v24 =	vor.u32 v4, v17;
	[tilespmem:s1+$0xFFFFFF20] =	vst v19;
	v18 =	vld.idx.msk [tilespmem:v18+s17+$0x0], $0xffff;
	v12 =	vbroadcast v10, $0x0;
	v10 =	vand.u32 $0x1E, v25  }
0xe7: {  	v19 =	vor.u32 v4, v16;
	v22 =	vld.idx.msk [tilespmem:v22+s17+$0x0], $0xffff;
	v10 =	vbroadcast v10, $0x0  }
0xe8: {  	v21 =	vld.idx.msk [tilespmem:v21+s17+$0x0], $0xffff;
	v25 =	vor.u32 v0, v12  }
0xe9: {  	v23 =	vld.idx.msk [tilespmem:v23+s17+$0x0], $0xffff;
	v26 =	vor.u32 v0, v10;
	[tilespmem:s1+$0xB0] =	vst v15  }
0xea: {  	s11 =	simm.s32 $0x8;
	v15 =	vor.u32 v4, v13;
	[tilespmem:s1+$0xFFFFFFB0] =	vst v20;
	v20 =	vld.idx.msk [tilespmem:v11+s17+$0x0], $0xffff  }
0xeb: {  	[tilespmem:s1+$0x30] =	vst v18;
	v18 =	vor.u32 v5, v14;
	v11 =	vmov s11;
	v24 =	vld.idx.msk [tilespmem:v24+s17+$0x0], $0xffff  }
0xec: {  	v27 =	vor.u32 v5, v17;
	v19 =	vld.idx.msk [tilespmem:v19+s17+$0x0], $0xffff;
	v11 =	vand.u32 $0x1C, v11  }
0xed: {  	[tilespmem:s1+$0xFFFFFF30] =	vst v22;
	v11 =	vbroadcast v11, $0x0;
	v22 =	vld.idx.msk [tilespmem:v25+s17+$0x0], $0xffff;
	v25 =	vor.u32 v5, v16  }
0xee: {  	v30 =	vor.u32 v1, v12;
	v26 =	vld.idx.msk [tilespmem:v26+s17+$0x0], $0xffff  }
0xef: {  	v28 =	vor.u32 v0, v11;
	v29 =	vld.idx.msk [tilespmem:v15+s17+$0x0], $0xffff;
	[tilespmem:s1+$0xC0] =	vst v20  }
0xf0: {  	v20 =	vor.u32 v1, v9;
	[tilespmem:s1+$0xFFFFFFC0] =	vst v24;
	v18 =	vld.idx.msk [tilespmem:v18+s17+$0x0], $0xffff  }
0xf1: {  	s0 =	simm.s32 $0x7300;
	v24 =	vor.u32 v1, v10;
	[tilespmem:s1+$0x40] =	vst v19;
	v27 =	vld.idx.msk [tilespmem:v27+s17+$0x0], $0xffff  }
0xf2: {  	v19 =	vld.idx.msk [tilespmem:v25+s17+$0x0], $0xffff;
	v25 =	vor.u32 v6, v14;
	[tilespmem:s0+$0x80] =	vst v22  }
0xf3: {  	[tilespmem:s0+$0xFFFFFF80] =	vst v23;
	v23 =	vor.u32 v5, v13;
	v22 =	vld.idx.msk [tilespmem:v30+s17+$0x0], $0xffff  }
0xf4: {  	[tilespmem:s0+$0xFFFFFF00] =	vst v21;
	v15 =	vld.idx.msk [tilespmem:v28+s17+$0x0], $0xffff;
	v28 =	vor.u32 v1, v8  }
0xf5: {  	[tilespmem:s0+$0x0] =	vst v26;
	v26 =	vor.u32 v6, v17;
	v20 =	vld.idx.msk [tilespmem:v20+s17+$0x0], $0xffff  }
0xf6: {  	v30 =	vor.u32 v2, v12;
	v24 =	vld.idx.msk [tilespmem:v24+s17+$0x0], $0xffff;
	[tilespmem:s1+$0xD0] =	vst v18  }
0xf7: {  	v21 =	vor.u32 v2, v9;
	[tilespmem:s1+$0xFFFFFF40] =	vst v29;
	v25 =	vld.idx.msk [tilespmem:v25+s17+$0x0], $0xffff  }
0xf8: {  	v14 =	vor.u32 v7, v14;
	v23 =	vld.idx.msk [tilespmem:v23+s17+$0x0], $0xffff;
	[tilespmem:s1+$0xFFFFFFD0] =	vst v27  }
0xf9: {  	v31 =	vor.u32 v2, v10;
	[tilespmem:s0+$0x90] =	vst v22;
	v28 =	vld.idx.msk [tilespmem:v28+s17+$0x0], $0xffff  }
0xfa: {  	v32 =	vor.u32 v6, v13;
	v18 =	vld.idx.msk [tilespmem:v26+s17+$0x0], $0xffff;
	[tilespmem:s0+$0xFFFFFF90] =	vst v20  }
0xfb: {  	s12 =	simm.s32 $0x9;
	v27 =	vor.u32 v2, v8;
	v20 =	vld.idx.msk [tilespmem:v30+s17+$0x0], $0xffff;
	[tilespmem:s0+$0x10] =	vst v24  }
0xfc: {  	v22 =	vor.u32 v6, v16;
	v30 =	vld.idx.msk [tilespmem:v21+s17+$0x0], $0xffff;
	v21 =	vmov s12;
	[tilespmem:s1+$0xE0] =	vst v25  }
0xfd: {  	v33 =	vor.u32 v3, v12;
	[tilespmem:s1+$0xFFFFFF50] =	vst v23;
	v26 =	vld.idx.msk [tilespmem:v14+s17+$0x0], $0xffff;
	v14 =	vand.u32 $0x1D, v21  }
0xfe: {  	v31 =	vld.idx.msk [tilespmem:v31+s17+$0x0], $0xffff;
	[tilespmem:s0+$0xFFFFFF10] =	vst v28;
	v28 =	vor.u32 v3, v9;
	v14 =	vbroadcast v14, $0x0  }
0xff: {  	v29 =	vor.u32 v3, v10;
	[tilespmem:s1+$0x50] =	vst v19;
	v19 =	vld.idx.msk [tilespmem:v32+s17+$0x0], $0xffff  }
0x100: {  	v24 =	vld.idx.msk [tilespmem:v27+s17+$0x0], $0xffff;
	[tilespmem:s0+$0xA0] =	vst v20;
	v20 =	vor.u32 v0, v14  }
0x101: {  	v21 =	vld.idx.msk [tilespmem:v22+s17+$0x0], $0xffff;
	v27 =	vor.u32 v3, v8  }
0x102: {  	v25 =	vor.u32 v7, v17;
	[tilespmem:s0+$0xFFFFFFA0] =	vst v30;
	v22 =	vld.idx.msk [tilespmem:v33+s17+$0x0], $0xffff  }
0x103: {  	s6 =	simm.s32 $0xB;
	s12 =	simm.s32 $0xC;
	[tilespmem:s0+$0x20] =	vst v31;
	v23 =	vld.idx.msk [tilespmem:v28+s17+$0x0], $0xffff;
	v28 =	vor.u32 v7, v16  }
.LBB2_5:
0x104: {  	p0 =	slt.u32 s12, $0x1C;
	v16 =	vmov s6;
	v17 =	vld.idx.msk [tilespmem:v29+s17+$0x0], $0xffff;
	v29 =	vor.u32 v4, v12;
	[tilespmem:s1+$0xF0] =	vst v26  }
0x105: {  	s6 =	sadd.s32 $0x2, s11;
	s11 =	smov.u32 s12;
	v20 =	vld.idx.msk [tilespmem:v20+s17+$0x0], $0xffff;
	v16 =	vand.u32 $0x1F, v16;
	[tilespmem:s0+$0xFFFFFF20] =	vst v24;
	v24 =	vor.u32 v4, v9  }
0x106: {  	v30 =	vor.u32 v4, v10;
	v26 =	vmov s6;
	v16 =	vbroadcast v16, $0x0;
	v27 =	vld.idx.msk [tilespmem:v27+s17+$0x0], $0xffff;
	[tilespmem:s1+$0xFFFFFFE0] =	vst v18  }
0x107: {  	v18 =	vand.u32 $0x1E, v26;
	v26 =	vor.u32 v7, v13;
	v13 =	vmovc v8;
	v8 =	vmov v11;
	v25 =	vld.idx.msk [tilespmem:v25+s17+$0x0], $0xffff;
	[tilespmem:s1+$0x60] =	vst v21  }
0x108: {  	v31 =	vbroadcast v18, $0x0;
	v18 =	vor.u32 v0, v16;
	[tilespmem:s0+$0xB0] =	vst v22;
	v21 =	vld.idx.msk [tilespmem:v28+s17+$0x0], $0xffff  }
0x109: {  	v22 =	vor.u32 v4, v13;
	[tilespmem:s0+$0xFFFFFFB0] =	vst v23;
	v23 =	vld.idx.msk [tilespmem:v29+s17+$0x0], $0xffff  }
0x10a: {  	v11 =	vmov s12;
	v28 =	vor.u32 v0, v31;
	v24 =	vld.idx.msk [tilespmem:v24+s17+$0x0], $0xffff;
	[tilespmem:s0+$0x30] =	vst v17  }
0x10b: {  	v11 =	vand.u32 $0x1C, v11;
	v29 =	vor.u32 v5, v12;
	v17 =	vld.idx.msk [tilespmem:v30+s17+$0x0], $0xffff;
	[tilespmem:s1+$0xFFFFFF60] =	vst v19  }
0x10c: {  	v11 =	vbroadcast v11, $0x0;
	v19 =	vor.u32 v5, v9;
	[tilespmem:s0+$0xFFFFFF30] =	vst v27;
	v26 =	vld.idx.msk [tilespmem:v26+s17+$0x0], $0xffff  }
0x10d: {  	v27 =	vor.u32 v5, v10;
	v18 =	vld.idx.msk [tilespmem:v18+s17+$0x0], $0xffff;
	[tilespmem:s1+$0xFFFFFFF0] =	vst v25  }
0x10e: {  	v25 =	vor.u32 v0, v11;
	v22 =	vld.idx.msk [tilespmem:v22+s17+$0x0], $0xffff;
	[tilespmem:s1+$0x70] =	vst v21  }
0x10f: {  	v21 =	vld.idx.msk [tilespmem:v28+s17+$0x0], $0xffff;
	v28 =	vor.u32 v1, v16;
	[tilespmem:s0+$0xC0] =	vst v23  }
0x110: {  	v23 =	vor.u32 v1, v14;
	[tilespmem:s0+$0xFFFFFFC0] =	vst v24;
	v24 =	vld.idx.msk [tilespmem:v29+s17+$0x0], $0xffff  }
0x111: {  	v29 =	vor.u32 v1, v31;
	v19 =	vld.idx.msk [tilespmem:v19+s17+$0x0], $0xffff;
	[tilespmem:s0+$0x40] =	vst v17  }
0x112: {  	v17 =	vld.idx.msk [tilespmem:v27+s17+$0x0], $0xffff;
	v27 =	vor.u32 v6, v12;
	[tilespmem:s1+$0xFFFFFF70] =	vst v26;
	s1 =	smov.u32 s0;
	s0 =	sadd.s32 $0x200, s0  }
0x113: {  	v26 =	vor.u32 v1, v8;
	v25 =	vld.idx.msk [tilespmem:v25+s17+$0x0], $0xffff;
	[tilespmem:s0+$0x80] =	vst v18  }
0x114: {  	[tilespmem:s0+$0xFFFFFF80] =	vst v20;
	v18 =	vld.idx.msk [tilespmem:v28+s17+$0x0], $0xffff;
	v20 =	vor.u32 v5, v13  }
0x115: {  	v23 =	vld.idx.msk [tilespmem:v23+s17+$0x0], $0xffff;
	[tilespmem:s0+$0x0] =	vst v21;
	v21 =	vor.u32 v6, v9  }
0x116: {  	v28 =	vld.idx.msk [tilespmem:v29+s17+$0x0], $0xffff;
	v29 =	vor.u32 v2, v16;
	[tilespmem:s1+$0xD0] =	vst v24  }
0x117: {  	v24 =	vor.u32 v2, v14;
	[tilespmem:s0+$0xFFFFFF00] =	vst v15;
	v27 =	vld.idx.msk [tilespmem:v27+s17+$0x0], $0xffff  }
0x118: {  	v30 =	vor.u32 v2, v31;
	v26 =	vld.idx.msk [tilespmem:v26+s17+$0x0], $0xffff;
	[tilespmem:s1+$0xFFFFFF40] =	vst v22  }
0x119: {  	v15 =	vmov v25;
	v22 =	vld.idx.msk [tilespmem:v20+s17+$0x0], $0xffff;
	[tilespmem:s1+$0xFFFFFFD0] =	vst v19;
	v19 =	vor.u32 v7, v12;
	v12 =	vmov v16  }
0x11a: {  	v16 =	vor.u32 v2, v8;
	[tilespmem:s0+$0x90] =	vst v18;
	v18 =	vld.idx.msk [tilespmem:v21+s17+$0x0], $0xffff  }
0x11b: {  	s6 =	sadd.s32 $0x1, s12;
	v21 =	vor.u32 v6, v10;
	[tilespmem:s0+$0xFFFFFF90] =	vst v23;
	v23 =	vld.idx.msk [tilespmem:v29+s17+$0x0], $0xffff  }
0x11c: {  	v20 =	vmov s6;
	v25 =	vld.idx.msk [tilespmem:v24+s17+$0x0], $0xffff;
	[tilespmem:s0+$0x10] =	vst v28;
	v28 =	vor.u32 v6, v13  }
0x11d: {  	v20 =	vand.u32 $0x1D, v20;
	v32 =	vor.u32 v3, v12;
	v30 =	vld.idx.msk [tilespmem:v30+s17+$0x0], $0xffff;
	[tilespmem:s1+$0xE0] =	vst v27  }
0x11e: {  	v34 =	vor.u32 v3, v14;
	v33 =	vbroadcast v20, $0x0;
	[tilespmem:s0+$0xFFFFFF10] =	vst v26;
	v26 =	vld.idx.msk [tilespmem:v19+s17+$0x0], $0xffff  }
.Ltmp1:
0x11f: {  	v29 =	vor.u32 v3, v31;
	v24 =	vld.idx.msk [tilespmem:v16+s17+$0x0], $0xffff;
	[tilespmem:s1+$0x50] =	vst v17;
	(pc) =	sbr.rel @p0 .LBB2_5-.Ltmp1, $4  }
0x120: {  	v20 =	vor.u32 v0, v33;
	[tilespmem:s1+$0xFFFFFF50] =	vst v22;
	v21 =	vld.idx.msk [tilespmem:v21+s17+$0x0], $0xffff  }
0x121: {  	v27 =	vor.u32 v3, v8;
	[tilespmem:s0+$0xA0] =	vst v23;
	v19 =	vld.idx.msk [tilespmem:v28+s17+$0x0], $0xffff  }
0x122: {  	[tilespmem:s0+$0xFFFFFFA0] =	vst v25;
	v22 =	vld.idx.msk [tilespmem:v32+s17+$0x0], $0xffff;
	v25 =	vor.u32 v7, v9;
	v9 =	vmov v14;
	v14 =	vmov v33  }
0x123: {  	s12 =	sadd.s32 $0x4, s12;
	s6 =	sadd.s32 $0x3, s11;
	v28 =	vor.u32 v7, v10;
	v10 =	vmov v31;
	v23 =	vld.idx.msk [tilespmem:v34+s17+$0x0], $0xffff;
	[tilespmem:s0+$0x20] =	vst v30  }
0x124: {  	_ = 	snop  }
0x125: {  	[tilespmem:s1+$0xF0] =	vst v26  }
0x126: {  	[tilespmem:s0+$0xFFFFFF20] =	vst v24  }
0x127: {  	v16 =	vmov s6;
	s12 =	sadd.s32 $0x2, s11;
	[tilespmem:s1+$0xFFFFFFE0] =	vst v18  }
0x128: {  	v63 =	vld.idx.msk [tilespmem:v29+s17+$0x0], $0xffff;
	v33 =	vor.u32 v4, v12;
	s11 =	sadd.s32 $0x200, s0;
	v16 =	vand.u32 $0x1F, v16;
	v30 =	vmov s12;
	[tilespmem:s1+$0x60] =	vst v21  }
0x129: {  	v34 =	vor.u32 v4, v9;
	v20 =	vld.idx.msk [tilespmem:v20+s17+$0x0], $0xffff;
	[tilespmem:s11+$0xFFFFFF00] =	vst v15;
	v17 =	vbroadcast v16, $0x0;
	v37 =	vand.u32 $0x1E, v30  }
0x12a: {  	v13 =	vor.u32 v7, v13;
	v35 =	vld.idx.msk [tilespmem:v27+s17+$0x0], $0xffff;
	[tilespmem:s1+$0xFFFFFF60] =	vst v19;
	v16 =	vbroadcast v37, $0x0  }
0x12b: {  	v38 =	vld.idx.msk [tilespmem:v25+s17+$0x0], $0xffff;
	[tilespmem:s0+$0xB0] =	vst v22;
	v39 =	vor.u32 v0, v17  }
0x12c: {  	v40 =	vld.idx.msk [tilespmem:v28+s17+$0x0], $0xffff;
	[tilespmem:s0+$0xFFFFFFB0] =	vst v23;
	v42 =	vor.u32 v0, v16  }
0x12d: {  	v49 =	vor.u32 v1, v11;
	v41 =	vld.idx.msk [tilespmem:v33+s17+$0x0], $0xffff;
	[tilespmem:s0+$0x30] =	vst v63  }
0x12e: {  	v47 =	vor.u32 v1, v14;
	v24 =	vld.idx.msk [tilespmem:v34+s17+$0x0], $0xffff;
	[tilespmem:s11+$0xFFFFFF80] =	vst v20  }
0x12f: {  	v36 =	vor.u32 v4, v10;
	v13 =	vld.idx.msk [tilespmem:v13+s17+$0x0], $0xffff;
	[tilespmem:s0+$0xFFFFFF30] =	vst v35  }
0x130: {  	v44 =	vor.u32 v5, v12;
	[tilespmem:s1+$0xFFFFFFF0] =	vst v38;
	v25 =	vld.idx.msk [tilespmem:v39+s17+$0x0], $0xffff  }
0x131: {  	v45 =	vor.u32 v1, v17;
	[tilespmem:s1+$0x70] =	vst v40;
	v46 =	vld.idx.msk [tilespmem:v42+s17+$0x0], $0xffff  }
0x132: {  	v48 =	vor.u32 v1, v16;
	v57 =	vld.idx.msk [tilespmem:v49+s17+$0x0], $0xffff;
	[tilespmem:s0+$0xC0] =	vst v41  }
0x133: {  	v50 =	vor.u32 v4, v8;
	v53 =	vld.idx.msk [tilespmem:v47+s17+$0x0], $0xffff;
	[tilespmem:s0+$0xFFFFFFC0] =	vst v24  }
0x134: {  	v56 =	vor.u32 v2, v14;
	v43 =	vld.idx.msk [tilespmem:v36+s17+$0x0], $0xffff;
	[tilespmem:s1+$0xFFFFFF70] =	vst v13  }
0x135: {  	v62 =	vor.u32 v5, v10;
	v18 =	vld.idx.msk [tilespmem:v44+s17+$0x0], $0xffff;
	[tilespmem:s11+$0x80] =	vst v25  }
0x136: {  	v60 =	vor.u32 v2, v11;
	v52 =	vld.idx.msk [tilespmem:v45+s17+$0x0], $0xffff;
	[tilespmem:s11+$0x0] =	vst v46  }
0x137: {  	v54 =	vor.u32 v2, v17;
	[tilespmem:s11+$0xFFFFFF10] =	vst v57;
	v55 =	vld.idx.msk [tilespmem:v48+s17+$0x0], $0xffff  }
0x138: {  	v58 =	vor.u32 v2, v16;
	v59 =	vld.idx.msk [tilespmem:v50+s17+$0x0], $0xffff;
	[tilespmem:s11+$0xFFFFFF90] =	vst v53  }
0x139: {  	v33 =	vor.u32 v5, v8;
	[tilespmem:s0+$0x40] =	vst v43;
	v15 =	vld.idx.msk [tilespmem:v56+s17+$0x0], $0xffff  }
0x13a: {  	v61 =	vor.u32 v6, v12;
	v20 =	vld.idx.msk [tilespmem:v62+s17+$0x0], $0xffff;
	[tilespmem:s0+$0xD0] =	vst v18  }
0x13b: {  	v29 =	vor.u32 v3, v14;
	v18 =	vld.idx.msk [tilespmem:v60+s17+$0x0], $0xffff;
	[tilespmem:s11+$0x90] =	vst v52  }
0x13c: {  	v32 =	vor.u32 v3, v11;
	v63 =	vld.idx.msk [tilespmem:v54+s17+$0x0], $0xffff;
	[tilespmem:s11+$0x10] =	vst v55  }
0x13d: {  	v28 =	vor.u32 v3, v17;
	[tilespmem:s0+$0xFFFFFF40] =	vst v59;
	v19 =	vld.idx.msk [tilespmem:v58+s17+$0x0], $0xffff  }
0x13e: {  	v30 =	vor.u32 v3, v16;
	v41 =	vld.idx.msk [tilespmem:v33+s17+$0x0], $0xffff;
	[tilespmem:s11+$0xFFFFFFA0] =	vst v15  }
0x13f: {  	v51 =	vor.u32 v5, v9;
	v31 =	vld.idx.msk [tilespmem:v61+s17+$0x0], $0xffff;
	[tilespmem:s0+$0x50] =	vst v20  }
0x140: {  	v34 =	vor.u32 v7, v12;
	v13 =	vld.idx.msk [tilespmem:v29+s17+$0x0], $0xffff;
	[tilespmem:s11+$0xFFFFFF20] =	vst v18  }
0x141: {  	v38 =	vor.u32 v4, v14;
	v39 =	vld.idx.msk [tilespmem:v32+s17+$0x0], $0xffff;
	[tilespmem:s11+$0xA0] =	vst v63  }
0x142: {  	v42 =	vor.u32 v4, v11;
	v35 =	vld.idx.msk [tilespmem:v28+s17+$0x0], $0xffff;
	[tilespmem:s11+$0x20] =	vst v19  }
0x143: {  	v36 =	vor.u32 v4, v17;
	[tilespmem:s0+$0xFFFFFF50] =	vst v41;
	v37 =	vld.idx.msk [tilespmem:v30+s17+$0x0], $0xffff  }
0x144: {  	v40 =	vor.u32 v4, v16;
	v25 =	vld.idx.msk [tilespmem:v51+s17+$0x0], $0xffff;
	[tilespmem:s0+$0xE0] =	vst v31  }
0x145: {  	v44 =	vor.u32 v6, v10;
	v12 =	vld.idx.msk [tilespmem:v34+s17+$0x0], $0xffff;
	[tilespmem:s11+$0xFFFFFFB0] =	vst v13  }
0x146: {  	v43 =	vor.u32 v6, v9;
	v18 =	vld.idx.msk [tilespmem:v38+s17+$0x0], $0xffff;
	[tilespmem:s11+$0xFFFFFF30] =	vst v39  }
0x147: {  	v47 =	vor.u32 v5, v14;
	v20 =	vld.idx.msk [tilespmem:v42+s17+$0x0], $0xffff;
	[tilespmem:s11+$0xB0] =	vst v35  }
0x148: {  	v50 =	vor.u32 v5, v11;
	v45 =	vld.idx.msk [tilespmem:v36+s17+$0x0], $0xffff;
	[tilespmem:s11+$0x30] =	vst v37  }
0x149: {  	v46 =	vor.u32 v5, v17;
	[tilespmem:s0+$0xFFFFFFD0] =	vst v25;
	v21 =	vld.idx.msk [tilespmem:v40+s17+$0x0], $0xffff  }
0x14a: {  	v48 =	vor.u32 v5, v16;
	v15 =	vld.idx.msk [tilespmem:v44+s17+$0x0], $0xffff;
	[tilespmem:s0+$0xF0] =	vst v12  }
0x14b: {  	v51 =	vor.u32 v6, v8;
	v49 =	vld.idx.msk [tilespmem:v43+s17+$0x0], $0xffff;
	[tilespmem:s11+$0xFFFFFFC0] =	vst v18  }
0x14c: {  	v52 =	vor.u32 v7, v9;
	v18 =	vld.idx.msk [tilespmem:v47+s17+$0x0], $0xffff;
	[tilespmem:s11+$0xFFFFFF40] =	vst v20  }
0x14d: {  	v54 =	vor.u32 v6, v14;
	v12 =	vld.idx.msk [tilespmem:v50+s17+$0x0], $0xffff;
	[tilespmem:s11+$0xC0] =	vst v45  }
0x14e: {  	v57 =	vor.u32 v6, v11;
	v13 =	vld.idx.msk [tilespmem:v46+s17+$0x0], $0xffff;
	[tilespmem:s11+$0x40] =	vst v21  }
0x14f: {  	v53 =	vor.u32 v6, v17;
	[tilespmem:s0+$0x60] =	vst v15;
	v21 =	vld.idx.msk [tilespmem:v48+s17+$0x0], $0xffff  }
0x150: {  	v56 =	vld.idx.msk [tilespmem:v51+s17+$0x0], $0xffff;
	v55 =	vor.u32 v6, v16;
	[tilespmem:s0+$0xFFFFFFE0] =	vst v49  }
0x151: {  	v8 =	vor.u32 v7, v8;
	v9 =	vld.idx.msk [tilespmem:v52+s17+$0x0], $0xffff;
	[tilespmem:s11+$0xFFFFFFD0] =	vst v18  }
0x152: {  	v58 =	vor.u32 v7, v10;
	v18 =	vld.idx.msk [tilespmem:v54+s17+$0x0], $0xffff;
	[tilespmem:s11+$0xFFFFFF50] =	vst v12  }
0x153: {  	v60 =	vor.u32 v7, v14;
	v15 =	vld.idx.msk [tilespmem:v57+s17+$0x0], $0xffff;
	[tilespmem:s11+$0xD0] =	vst v13  }
0x154: {  	v61 =	vor.u32 v7, v11;
	v13 =	vld.idx.msk [tilespmem:v53+s17+$0x0], $0xffff;
	[tilespmem:s11+$0x50] =	vst v21  }
0x155: {  	v17 =	vor.u32 v7, v17;
	[tilespmem:s0+$0xFFFFFF60] =	vst v56;
	v59 =	vld.idx.msk [tilespmem:v55+s17+$0x0], $0xffff  }
0x156: {  	v16 =	vor.u32 v7, v16;
	v8 =	vld.idx.msk [tilespmem:v8+s17+$0x0], $0xffff;
	[tilespmem:s0+$0xFFFFFFF0] =	vst v9  }
0x157: {  	v10 =	vld.idx.msk [tilespmem:v58+s17+$0x0], $0xffff;
	[tilespmem:s11+$0xFFFFFFE0] =	vst v18  }
0x158: {  	v63 =	vld.idx.msk [tilespmem:v60+s17+$0x0], $0xffff;
	[tilespmem:s11+$0xFFFFFF60] =	vst v15  }
0x159: {  	v9 =	vld.idx.msk [tilespmem:v61+s17+$0x0], $0xffff;
	[tilespmem:s11+$0xE0] =	vst v13  }
0x15a: {  	v62 =	vld.idx.msk [tilespmem:v17+s17+$0x0], $0xffff;
	[tilespmem:s11+$0x60] =	vst v59  }
0x15b: {  	s30 =	sand.u32 $0x3, s30;
	[tilespmem:s0+$0xFFFFFF70] =	vst v8;
	v12 =	vld.idx.msk [tilespmem:v16+s17+$0x0], $0xffff  }
0x15c: {  	s6 =	sor.u32 s4, s30;
	[tilespmem:s0+$0x70] =	vst v10  }
0x15d: {  	s0 =	sshll.u32 s6, $0x7;
	[tilespmem:s11+$0xFFFFFFF0] =	vst v63  }
0x15e: {  	s0 =	sor.u32 s31, s0;
	[tilespmem:s11+$0xFFFFFF70] =	vst v9  }
0x15f: {  	s12 =	sand.u32 $0x1FFF80, s0;
	[tilespmem:s11+$0xF0] =	vst v62  }
0x160: {  	s29 =	sadd.s32 $0x1, s29;
	s1 =	sadd.s32 s2, s12;
	[tilespmem:s11+$0x70] =	vst v12  }
0x161: {  	[hbm4b:s1+s3] =	stream.linear.scatter [tilespmem:s22], [sflag:$0x2], $0x400, $0x38;
	[tilespmem:$0x8000] =	vst v63  }
0x162: {  	p0 =	sne.s32 s29, $0x34;
	s30 =	sadd.s32 s0, s7  }
0x163: {  	[hbm4b:s30+s3] =	stream.linear.scatter [tilespmem:s23], [sflag:$0x2], $0x400, $0x38;
	[tilespmem:$0x8000] =	vst v63  }
.Ltmp2:
0x164: {  	_ = 	snop;
	(pc) =	sbr.rel @p0 .LBB2_2-.Ltmp2, $4  }
0x165: {  	s31 =	sadd.s32 s0, s8  }
0x166: {  	[hbm4b:s31+s3] =	stream.linear.scatter [tilespmem:s24], [sflag:$0x2], $0x400, $0x38;
	[tilespmem:$0x8000] =	vst v63  }
0x167: {  	s0 =	sadd.s32 s0, s9  }
0x168: {  	[hbm4b:s0+s3] =	stream.linear.scatter [tilespmem:s25], [sflag:$0x2], $0x400, $0x38;
	[tilespmem:$0x8000] =	vst v63  }
0x169: {  	_ =	swait.ge [sflag:s26], $0x400  }
0x16a: {  	[sflag:s26] =	ssyncset.done $0x0  }
0x16b: {  	[sflag:s26] =	ssyncadd.s32 $0xFFFFFC00  }
0x16c: {  	_ =	swait.ge [sflag:s26], $0x400  }
0x16d: {  	[sflag:s26] =	ssyncset.done $0x0  }
0x16e: {  	[sflag:s26] =	ssyncadd.s32 $0xFFFFFC00  }
0x16f: {  	_ =	swait.ge [sflag:s26], $0x400  }
0x170: {  	[sflag:s26] =	ssyncset.done $0x0  }
0x171: {  	[sflag:s26] =	ssyncadd.s32 $0xFFFFFC00  }
0x172: {  	_ =	swait.ge [sflag:s26], $0x400  }
0x173: {  	[sflag:s26] =	ssyncset.done $0x0  }
0x174: {  	[sflag:s26] =	ssyncadd.s32 $0xFFFFFC00  }
0x175: {  	_ =	swait.ge [sflag:s26], $0x400  }
0x176: {  	[sflag:s26] =	ssyncset.done $0x0  }
0x177: {  	[sflag:s26] =	ssyncadd.s32 $0xFFFFFC00  }
0x178: {  	_ =	swait.ge [sflag:s26], $0x400  }
0x179: {  	[sflag:s26] =	ssyncset.done $0x0  }
0x17a: {  	s28 =	sadd.s32 $0x1, s28;
	[sflag:s26] =	ssyncadd.s32 $0xFFFFFC00  }
0x17b: {  	p0 =	sne.s32 s28, s10;
	_ =	swait.ge [sflag:s26], $0x400  }
.Ltmp3:
0x17c: {  	[sflag:s26] =	ssyncset.done $0x0;
	(pc) =	sbr.rel @p0 .LBB2_1-.Ltmp3, $4  }
0x17d: {  	[sflag:s26] =	ssyncadd.s32 $0xFFFFFC00  }
0x17e: {  	_ =	swait.ge [sflag:s26], $0x400  }
0x17f: {  	[sflag:s26] =	ssyncset.done $0x0  }
0x180: {  	[sflag:s26] =	ssyncadd.s32 $0xFFFFFC00  }
0x181: {  	_ =	sfence.sel $0x180000  }
0x182: {  	[bflag:$0x0] =	sbarrier.arrive $0xFFFF  }
0x183: {  	_ =	strace $0x90000047  }
0x184: {  	s0 =	stileid.u32;
	[bflag:$0x2] =	sbarrier.arrive $0xFFFF  }
0x185: {  	p0 =	sne.s32 s0, $0x0;
	s0 =	rddreg [dreg:$0x3]  }
0x186: {  	s0 =	sadd.s32 @!p0 $0x100000, s0  }
0x187: {  	[sflag:s0] =	ssyncadd.tile.s32 @!p0 $0x1;
	_ =	shalt  }
.Lfunc_end2:
_tile_overlayer_lowered:
.L_overlay_start_2:
0x188: {  	(tag) =	ssettag $0x2  }
0x189: {  	s0 =	rddreg [dreg:$0x0];
	s2 =	stileid.u32  }
0x18a: {  	s1 =	rddreg [dreg:$0x1];
	p0 =	sne.s32 s2, $0x0  }
0x18b: {  	s3 =	rddreg [dreg:$0x2];
	[bflag:$0x3] =	sbarrier.arrive $0xFFFF;
	s2 =	simm.s32 @!p0 $0x1C03  }
0x18c: {  	[timem:s3], [sflag:s2] =	dma.local @!p0 [hbm:s0], s1  }
0x18d: {  	s0 =	simm.s32 @!p0 $0x3  }
0x18e: {  	_ =	swait.ge @!p0 [sflag:s0], s1  }
0x18f: {  	s1 =	ssub.s32 @!p0 $0x0, s1;
	[sflag:s0] =	ssyncset.done @!p0 $0x0  }
0x190: {  	[sflag:s0] =	ssyncadd.s32 @!p0 s1  }
0x191: {  	[bflag:$0x3] =	sbarrier.arrive $0xFFFF  }
0x192: {  	_ =	shalt  }

</sc_bundles>
